<compile_context>
chip_gen: v7x
topology: tpu7x:2x2x1
jax: 0.10.2.dev20260603
libtpu: 0.0.44.dev20260713+nightly
codegen_flags: <defaults>
</compile_context>

<pallas_src>
import functools

import jax
import jax.numpy as jnp
from jax import lax
from jax.experimental import pallas as pl
from jax.experimental.pallas import tpu as pltpu
from jax.experimental.pallas import tpu_sc as plsc

B = 16384
F = 128
L = 16
NC = 2
NS = 16
NW = NC * NS
BPW = B // NW
CHUNK = 128
NCHUNK = BPW // CHUNK


def _make_sc_kernel():
    mesh = plsc.VectorSubcoreMesh(core_axis_name="c", subcore_axis_name="s")

    @functools.partial(
        pl.kernel,
        out_type=jax.ShapeDtypeStruct((B,), jnp.float32),
        mesh=mesh,
        compiler_params=pltpu.CompilerParams(needs_layout_passes=False),
        scratch_types=[
            pltpu.VMEM((BPW,), jnp.int32),
            pltpu.VMEM((BPW,), jnp.int32),
            pltpu.VMEM((3, CHUNK, F), jnp.float32),
            pltpu.VMEM((3, CHUNK, F), jnp.float32),
            pltpu.VMEM((BPW + 8,), jnp.float32),
            pltpu.SemaphoreType.DMA,
            pltpu.SemaphoreType.DMA,
        ],
    )
    def sc_kernel(users_hbm, item_hbm, uemb_hbm, iemb_hbm, out_hbm,
                  uidx, iidx, urows, irows, outv, usem, isem):
        wid = lax.axis_index("s") * NC + lax.axis_index("c")
        base = wid * BPW

        cu = pltpu.async_copy(users_hbm.at[pl.ds(base, BPW)], uidx, usem)
        ci = pltpu.async_copy(item_hbm.at[pl.ds(base, BPW)], iidx, isem)
        cu.wait()
        ci.wait()

        def start(c):
            buf = c % 3
            return (
                pltpu.async_copy(uemb_hbm.at[uidx.at[pl.ds(c * CHUNK, CHUNK)]],
                                 urows.at[buf], usem),
                pltpu.async_copy(iemb_hbm.at[iidx.at[pl.ds(c * CHUNK, CHUNK)]],
                                 irows.at[buf], isem),
            )

        inflight = [start(0), start(1)]
        for c in range(NCHUNK):
            cur = inflight.pop(0)
            if c + 2 < NCHUNK:
                inflight.append(start(c + 2))
            cur[0].wait()
            cur[1].wait()
            buf = c % 3
            ub = urows.at[buf]
            ib = irows.at[buf]
            lane = lax.iota(jnp.int32, L)

            def gbody(g, c=c, ub=ub, ib=ib, lane=lane):
                parts = [
                    ub[g, pl.ds(k * L, L)] * ib[g, pl.ds(k * L, L)]
                    for k in range(F // L)
                ]
                while len(parts) > 1:
                    parts = [a + b for a, b in zip(parts[::2], parts[1::2])]
                total = plsc.cumsum(parts[0])
                plsc.store_compressed(outv.at[pl.ds(c * CHUNK + g, L)],
                                      total, mask=lane == L - 1)

            plsc.parallel_loop(0, CHUNK, 1, unroll=2)(gbody)

        pltpu.sync_copy(outv.at[pl.ds(0, BPW)], out_hbm.at[pl.ds(base, BPW)])

    return sc_kernel


_sc_kernel = _make_sc_kernel()


def kernel(users, item, user_emb, item_emb):
    return _sc_kernel(users, item, user_emb, item_emb)

# --- scband reference (transcript-rebuilt; emitter-appended) ---
"""Pipeline reference for scband-bpr-mfbase-30167850287827 (READ-ONLY COPY).

The authoritative reference and input builder live on the scoring server;
editing this copy changes nothing except your own understanding.
"""

import jax, jax.numpy as jnp
import numpy as np

NUM_USERS = 1000000
NUM_ITEMS = 100000
FACTORS = 128
BATCH = 16384

def setup_inputs(seed: int = 0) -> dict:
    key = jax.random.key(seed)
    k1, k2, k3, k4 = jax.random.split(key, 4)
    users = jax.random.randint(k1, (BATCH,), 0, NUM_USERS, dtype=jnp.int64 if jax.config.jax_enable_x64 else jnp.int32).astype(jnp.int32)
    item = jax.random.randint(k2, (BATCH,), 0, NUM_ITEMS, dtype=jnp.int64 if jax.config.jax_enable_x64 else jnp.int32).astype(jnp.int32)
    # nn.init.normal_(weight, mean=0, std=0.01)
    user_emb = jax.random.normal(k3, (NUM_USERS, FACTORS), dtype=jnp.float32) * 0.01
    item_emb = jax.random.normal(k4, (NUM_ITEMS, FACTORS), dtype=jnp.float32) * 0.01
    return {"users": users, "item": item, "user_emb": user_emb, "item_emb": item_emb}

def reference(users, item, user_emb, item_emb):
    # forward: embedding lookups + per-pair dot product
    u = jnp.take(user_emb, users, axis=0)   # [B, F]
    v = jnp.take(item_emb, item, axis=0)    # [B, F]
    mult = (u * v).sum(axis=1)              # [B]
    return mult

if __name__ == "__main__":
    import jax
    _d = setup_inputs()
    print(jax.jit(kernel)(*tuple(_d.values())))

</pallas_src>

<mosaic_0001>
#map = affine_map<(d0, d1) -> (0)>
#map1 = affine_map<(d0, d1) -> (0, 0)>
module attributes {stable_mosaic.version = 14 : i64} {
  func.func @sc_kernel(%arg0: i32, %arg1: i32, %arg2: memref<16384xi32, #tpu.memory_space<hbm>>, %arg3: memref<16384xi32, #tpu.memory_space<hbm>>, %arg4: memref<1000000x128xf32, #tpu.memory_space<hbm>>, %arg5: memref<100000x128xf32, #tpu.memory_space<hbm>>, %arg6: memref<16384xf32, #tpu.memory_space<hbm>>, %arg7: memref<512xi32, #tpu.memory_space<vmem>>, %arg8: memref<512xi32, #tpu.memory_space<vmem>>, %arg9: memref<3x128x128xf32, #tpu.memory_space<vmem>>, %arg10: memref<3x128x128xf32, #tpu.memory_space<vmem>>, %arg11: memref<520xf32, #tpu.memory_space<vmem>>, %arg12: memref<!tpu.dma_semaphore, #tpu.memory_space<semaphore_mem>>, %arg13: memref<!tpu.dma_semaphore, #tpu.memory_space<semaphore_mem>>) attributes {dimension_semantics = [#tpu.dimension_semantics<core_parallel>, #tpu.dimension_semantics<subcore_parallel>], iteration_bounds = array<i64: 2, 16>, scalar_prefetch = 0 : i64, scratch_operands = 7 : i64, tpu.core_type = #tpu.core_type<sc_vector_subcore>, window_params = [{transform_indices = #map}, {transform_indices = #map}, {transform_indices = #map1}, {transform_indices = #map1}, {transform_indices = #map}]} {
    %mul3A = arith.constant 2 : i32
    %mul3A_0 = arith.muli %arg1, %mul3A : i32
    %add3A = arith.addi %mul3A_0, %arg0 : i32
    %mul3A_1 = arith.constant 512 : i32
    %mul3A_2 = arith.muli %add3A, %mul3A_1 : i32
    %dma_start3A = tpu.memref_slice %arg2[%mul3A_2] : memref<16384xi32, #tpu.memory_space<hbm>> -> memref<512xi32, #tpu.memory_space<hbm>>
    %dma_start3A_3 = tpu.memref_slice %arg2[%mul3A_2] : memref<16384xi32, #tpu.memory_space<hbm>> -> memref<512xi32, #tpu.memory_space<hbm>>
    tpu.enqueue_dma source(%dma_start3A_3 : memref<512xi32, #tpu.memory_space<hbm>>) target(%arg7 : memref<512xi32, #tpu.memory_space<vmem>>) target_semaphore(%arg12 : memref<!tpu.dma_semaphore, #tpu.memory_space<semaphore_mem>>)
    %dma_start3A_4 = tpu.memref_slice %arg3[%mul3A_2] : memref<16384xi32, #tpu.memory_space<hbm>> -> memref<512xi32, #tpu.memory_space<hbm>>
    %dma_start3A_5 = tpu.memref_slice %arg3[%mul3A_2] : memref<16384xi32, #tpu.memory_space<hbm>> -> memref<512xi32, #tpu.memory_space<hbm>>
    tpu.enqueue_dma source(%dma_start3A_5 : memref<512xi32, #tpu.memory_space<hbm>>) target(%arg8 : memref<512xi32, #tpu.memory_space<vmem>>) target_semaphore(%arg13 : memref<!tpu.dma_semaphore, #tpu.memory_space<semaphore_mem>>)
    %dma_wait3A = tpu.memref_slice %arg2[%mul3A_2] : memref<16384xi32, #tpu.memory_space<hbm>> -> memref<512xi32, #tpu.memory_space<hbm>>
    %dma_wait3A_6 = tpu.memref_slice %arg2[%mul3A_2] : memref<16384xi32, #tpu.memory_space<hbm>> -> memref<512xi32, #tpu.memory_space<hbm>>
    tpu.wait_dma2 semaphore(%arg12 : memref<!tpu.dma_semaphore, #tpu.memory_space<semaphore_mem>>) src(%dma_wait3A_6 : memref<512xi32, #tpu.memory_space<hbm>>) dst(%arg7 : memref<512xi32, #tpu.memory_space<vmem>>)
    %dma_wait3A_7 = tpu.memref_slice %arg3[%mul3A_2] : memref<16384xi32, #tpu.memory_space<hbm>> -> memref<512xi32, #tpu.memory_space<hbm>>
    %dma_wait3A_8 = tpu.memref_slice %arg3[%mul3A_2] : memref<16384xi32, #tpu.memory_space<hbm>> -> memref<512xi32, #tpu.memory_space<hbm>>
    tpu.wait_dma2 semaphore(%arg13 : memref<!tpu.dma_semaphore, #tpu.memory_space<semaphore_mem>>) src(%dma_wait3A_8 : memref<512xi32, #tpu.memory_space<hbm>>) dst(%arg8 : memref<512xi32, #tpu.memory_space<vmem>>)
    %dma_start3A_9 = arith.constant 0 : i32
    %dma_start3A_10 = arith.constant 0 : i32
    %dma_start3A_11 = arith.constant 0 : i32
    %dma_start3A_12 = tpu.memref_slice %arg9[%dma_start3A_9, %dma_start3A_10, %dma_start3A_11] : memref<3x128x128xf32, #tpu.memory_space<vmem>> -> memref<1x128x128xf32, #tpu.memory_space<vmem>>
    %dma_start3A_13 = tpu.memref_squeeze %dma_start3A_12 : memref<1x128x128xf32, #tpu.memory_space<vmem>> -> memref<128x128xf32, #tpu.memory_space<vmem>>
    %dma_start3A_14 = arith.constant 0 : i32
    %dma_start3A_15 = tpu.memref_slice %arg7[%dma_start3A_14] : memref<512xi32, #tpu.memory_space<vmem>> -> memref<128xi32, #tpu.memory_space<vmem>>
    %dma_start3A_16 = arith.constant 0 : i32
    %dma_start3A_17 = arith.constant 0 : i32
    %dma_start3A_18 = tpu.memref_slice %arg4[%dma_start3A_16, %dma_start3A_17] : memref<1000000x128xf32, #tpu.memory_space<hbm>> -> memref<1000000x128xf32, #tpu.memory_space<hbm>>
    tpu.enqueue_indirect_dma source(%dma_start3A_18 : memref<1000000x128xf32, #tpu.memory_space<hbm>>) target(%dma_start3A_13 : memref<128x128xf32, #tpu.memory_space<vmem>>) offsets(%dma_start3A_15 : memref<128xi32, #tpu.memory_space<vmem>>) semaphore(%arg12 : memref<!tpu.dma_semaphore, #tpu.memory_space<semaphore_mem>>)
    %dma_start3A_19 = arith.constant 0 : i32
    %dma_start3A_20 = arith.constant 0 : i32
    %dma_start3A_21 = arith.constant 0 : i32
    %dma_start3A_22 = tpu.memref_slice %arg10[%dma_start3A_19, %dma_start3A_20, %dma_start3A_21] : memref<3x128x128xf32, #tpu.memory_space<vmem>> -> memref<1x128x128xf32, #tpu.memory_space<vmem>>
    %dma_start3A_23 = tpu.memref_squeeze %dma_start3A_22 : memref<1x128x128xf32, #tpu.memory_space<vmem>> -> memref<128x128xf32, #tpu.memory_space<vmem>>
    %dma_start3A_24 = arith.constant 0 : i32
    %dma_start3A_25 = tpu.memref_slice %arg8[%dma_start3A_24] : memref<512xi32, #tpu.memory_space<vmem>> -> memref<128xi32, #tpu.memory_space<vmem>>
    %dma_start3A_26 = arith.constant 0 : i32
    %dma_start3A_27 = arith.constant 0 : i32
    %dma_start3A_28 = tpu.memref_slice %arg5[%dma_start3A_26, %dma_start3A_27] : memref<100000x128xf32, #tpu.memory_space<hbm>> -> memref<100000x128xf32, #tpu.memory_space<hbm>>
    tpu.enqueue_indirect_dma source(%dma_start3A_28 : memref<100000x128xf32, #tpu.memory_space<hbm>>) target(%dma_start3A_23 : memref<128x128xf32, #tpu.memory_space<vmem>>) offsets(%dma_start3A_25 : memref<128xi32, #tpu.memory_space<vmem>>) semaphore(%arg13 : memref<!tpu.dma_semaphore, #tpu.memory_space<semaphore_mem>>)
    %dma_start3A_29 = arith.constant 1 : i32
    %dma_start3A_30 = arith.constant 0 : i32
    %dma_start3A_31 = arith.constant 0 : i32
    %dma_start3A_32 = tpu.memref_slice %arg9[%dma_start3A_29, %dma_start3A_30, %dma_start3A_31] : memref<3x128x128xf32, #tpu.memory_space<vmem>> -> memref<1x128x128xf32, #tpu.memory_space<vmem>>
    %dma_start3A_33 = tpu.memref_squeeze %dma_start3A_32 : memref<1x128x128xf32, #tpu.memory_space<vmem>> -> memref<128x128xf32, #tpu.memory_space<vmem>>
    %dma_start3A_34 = arith.constant 128 : i32
    %dma_start3A_35 = tpu.memref_slice %arg7[%dma_start3A_34] : memref<512xi32, #tpu.memory_space<vmem>> -> memref<128xi32, #tpu.memory_space<vmem>>
    %dma_start3A_36 = arith.constant 0 : i32
    %dma_start3A_37 = arith.constant 0 : i32
    %dma_start3A_38 = tpu.memref_slice %arg4[%dma_start3A_36, %dma_start3A_37] : memref<1000000x128xf32, #tpu.memory_space<hbm>> -> memref<1000000x128xf32, #tpu.memory_space<hbm>>
    tpu.enqueue_indirect_dma source(%dma_start3A_38 : memref<1000000x128xf32, #tpu.memory_space<hbm>>) target(%dma_start3A_33 : memref<128x128xf32, #tpu.memory_space<vmem>>) offsets(%dma_start3A_35 : memref<128xi32, #tpu.memory_space<vmem>>) semaphore(%arg12 : memref<!tpu.dma_semaphore, #tpu.memory_space<semaphore_mem>>)
    %dma_start3A_39 = arith.constant 1 : i32
    %dma_start3A_40 = arith.constant 0 : i32
    %dma_start3A_41 = arith.constant 0 : i32
    %dma_start3A_42 = tpu.memref_slice %arg10[%dma_start3A_39, %dma_start3A_40, %dma_start3A_41] : memref<3x128x128xf32, #tpu.memory_space<vmem>> -> memref<1x128x128xf32, #tpu.memory_space<vmem>>
    %dma_start3A_43 = tpu.memref_squeeze %dma_start3A_42 : memref<1x128x128xf32, #tpu.memory_space<vmem>> -> memref<128x128xf32, #tpu.memory_space<vmem>>
    %dma_start3A_44 = arith.constant 128 : i32
    %dma_start3A_45 = tpu.memref_slice %arg8[%dma_start3A_44] : memref<512xi32, #tpu.memory_space<vmem>> -> memref<128xi32, #tpu.memory_space<vmem>>
    %dma_start3A_46 = arith.constant 0 : i32
    %dma_start3A_47 = arith.constant 0 : i32
    %dma_start3A_48 = tpu.memref_slice %arg5[%dma_start3A_46, %dma_start3A_47] : memref<100000x128xf32, #tpu.memory_space<hbm>> -> memref<100000x128xf32, #tpu.memory_space<hbm>>
    tpu.enqueue_indirect_dma source(%dma_start3A_48 : memref<100000x128xf32, #tpu.memory_space<hbm>>) target(%dma_start3A_43 : memref<128x128xf32, #tpu.memory_space<vmem>>) offsets(%dma_start3A_45 : memref<128xi32, #tpu.memory_space<vmem>>) semaphore(%arg13 : memref<!tpu.dma_semaphore, #tpu.memory_space<semaphore_mem>>)
    %dma_start3A_49 = arith.constant 2 : i32
    %dma_start3A_50 = arith.constant 0 : i32
    %dma_start3A_51 = arith.constant 0 : i32
    %dma_start3A_52 = tpu.memref_slice %arg9[%dma_start3A_49, %dma_start3A_50, %dma_start3A_51] : memref<3x128x128xf32, #tpu.memory_space<vmem>> -> memref<1x128x128xf32, #tpu.memory_space<vmem>>
    %dma_start3A_53 = tpu.memref_squeeze %dma_start3A_52 : memref<1x128x128xf32, #tpu.memory_space<vmem>> -> memref<128x128xf32, #tpu.memory_space<vmem>>
    %dma_start3A_54 = arith.constant 256 : i32
    %dma_start3A_55 = tpu.memref_slice %arg7[%dma_start3A_54] : memref<512xi32, #tpu.memory_space<vmem>> -> memref<128xi32, #tpu.memory_space<vmem>>
    %dma_start3A_56 = arith.constant 0 : i32
    %dma_start3A_57 = arith.constant 0 : i32
    %dma_start3A_58 = tpu.memref_slice %arg4[%dma_start3A_56, %dma_start3A_57] : memref<1000000x128xf32, #tpu.memory_space<hbm>> -> memref<1000000x128xf32, #tpu.memory_space<hbm>>
    tpu.enqueue_indirect_dma source(%dma_start3A_58 : memref<1000000x128xf32, #tpu.memory_space<hbm>>) target(%dma_start3A_53 : memref<128x128xf32, #tpu.memory_space<vmem>>) offsets(%dma_start3A_55 : memref<128xi32, #tpu.memory_space<vmem>>) semaphore(%arg12 : memref<!tpu.dma_semaphore, #tpu.memory_space<semaphore_mem>>)
    %dma_start3A_59 = arith.constant 2 : i32
    %dma_start3A_60 = arith.constant 0 : i32
    %dma_start3A_61 = arith.constant 0 : i32
    %dma_start3A_62 = tpu.memref_slice %arg10[%dma_start3A_59, %dma_start3A_60, %dma_start3A_61] : memref<3x128x128xf32, #tpu.memory_space<vmem>> -> memref<1x128x128xf32, #tpu.memory_space<vmem>>
    %dma_start3A_63 = tpu.memref_squeeze %dma_start3A_62 : memref<1x128x128xf32, #tpu.memory_space<vmem>> -> memref<128x128xf32, #tpu.memory_space<vmem>>
    %dma_start3A_64 = arith.constant 256 : i32
    %dma_start3A_65 = tpu.memref_slice %arg8[%dma_start3A_64] : memref<512xi32, #tpu.memory_space<vmem>> -> memref<128xi32, #tpu.memory_space<vmem>>
    %dma_start3A_66 = arith.constant 0 : i32
    %dma_start3A_67 = arith.constant 0 : i32
    %dma_start3A_68 = tpu.memref_slice %arg5[%dma_start3A_66, %dma_start3A_67] : memref<100000x128xf32, #tpu.memory_space<hbm>> -> memref<100000x128xf32, #tpu.memory_space<hbm>>
    tpu.enqueue_indirect_dma source(%dma_start3A_68 : memref<100000x128xf32, #tpu.memory_space<hbm>>) target(%dma_start3A_63 : memref<128x128xf32, #tpu.memory_space<vmem>>) offsets(%dma_start3A_65 : memref<128xi32, #tpu.memory_space<vmem>>) semaphore(%arg13 : memref<!tpu.dma_semaphore, #tpu.memory_space<semaphore_mem>>)
    %dma_wait3A_69 = arith.constant 0 : i32
    %dma_wait3A_70 = arith.constant 0 : i32
    %dma_wait3A_71 = arith.constant 0 : i32
    %dma_wait3A_72 = tpu.memref_slice %arg9[%dma_wait3A_69, %dma_wait3A_70, %dma_wait3A_71] : memref<3x128x128xf32, #tpu.memory_space<vmem>> -> memref<1x128x128xf32, #tpu.memory_space<vmem>>
    %dma_wait3A_73 = tpu.memref_squeeze %dma_wait3A_72 : memref<1x128x128xf32, #tpu.memory_space<vmem>> -> memref<128x128xf32, #tpu.memory_space<vmem>>
    %dma_wait3A_74 = arith.constant 0 : i32
    %dma_wait3A_75 = tpu.memref_slice %arg7[%dma_wait3A_74] : memref<512xi32, #tpu.memory_space<vmem>> -> memref<128xi32, #tpu.memory_space<vmem>>
    %dma_wait3A_76 = arith.constant 0 : i32
    %dma_wait3A_77 = arith.constant 0 : i32
    %dma_wait3A_78 = tpu.memref_slice %arg4[%dma_wait3A_76, %dma_wait3A_77] : memref<1000000x128xf32, #tpu.memory_space<hbm>> -> memref<1000000x128xf32, #tpu.memory_space<hbm>>
    tpu.wait_indirect_dma semaphore(%arg12 : memref<!tpu.dma_semaphore, #tpu.memory_space<semaphore_mem>>) src(%dma_wait3A_78 : memref<1000000x128xf32, #tpu.memory_space<hbm>>) dst(%dma_wait3A_73 : memref<128x128xf32, #tpu.memory_space<vmem>>)
    %dma_wait3A_79 = arith.constant 0 : i32
    %dma_wait3A_80 = arith.constant 0 : i32
    %dma_wait3A_81 = arith.constant 0 : i32
    %dma_wait3A_82 = tpu.memref_slice %arg10[%dma_wait3A_79, %dma_wait3A_80, %dma_wait3A_81] : memref<3x128x128xf32, #tpu.memory_space<vmem>> -> memref<1x128x128xf32, #tpu.memory_space<vmem>>
    %dma_wait3A_83 = tpu.memref_squeeze %dma_wait3A_82 : memref<1x128x128xf32, #tpu.memory_space<vmem>> -> memref<128x128xf32, #tpu.memory_space<vmem>>
    %dma_wait3A_84 = arith.constant 0 : i32
    %dma_wait3A_85 = tpu.memref_slice %arg8[%dma_wait3A_84] : memref<512xi32, #tpu.memory_space<vmem>> -> memref<128xi32, #tpu.memory_space<vmem>>
    %dma_wait3A_86 = arith.constant 0 : i32
    %dma_wait3A_87 = arith.constant 0 : i32
    %dma_wait3A_88 = tpu.memref_slice %arg5[%dma_wait3A_86, %dma_wait3A_87] : memref<100000x128xf32, #tpu.memory_space<hbm>> -> memref<100000x128xf32, #tpu.memory_space<hbm>>
    tpu.wait_indirect_dma semaphore(%arg13 : memref<!tpu.dma_semaphore, #tpu.memory_space<semaphore_mem>>) src(%dma_wait3A_88 : memref<100000x128xf32, #tpu.memory_space<hbm>>) dst(%dma_wait3A_83 : memref<128x128xf32, #tpu.memory_space<vmem>>)
    %iota3A = tpu.iota {dimensions = array<i32: 0>} : vector<16xi32>
    %parallel_loop3A = arith.constant 0 : i32
    %parallel_loop3A_89 = arith.constant 128 : i32
    %parallel_loop3A_90 = arith.constant 1 : i32
    %parallel_loop3A_91 = arith.constant 0 : i32
    %parallel_loop3A_92 = arith.constant 0 : i32
    scf.for %parallel_loop3A_191 = %parallel_loop3A to %parallel_loop3A_89 step %parallel_loop3A_90  : i32 {
      %parallel_loop3A_192 = arith.constant 0 : i32
      %parallel_loop3A_193 = arith.constant 0 : i32
      %parallel_loop3A_194 = tpu.memref_slice %arg9[%parallel_loop3A_91, %parallel_loop3A_192, %parallel_loop3A_193] : memref<3x128x128xf32, #tpu.memory_space<vmem>> -> memref<1x128x128xf32, #tpu.memory_space<vmem>>
      %parallel_loop3A_195 = tpu.memref_squeeze %parallel_loop3A_194 : memref<1x128x128xf32, #tpu.memory_space<vmem>> -> memref<128x128xf32, #tpu.memory_space<vmem>>
      %parallel_loop3A_196 = arith.index_cast %parallel_loop3A_191 : i32 to index
      %parallel_loop3A_197 = arith.constant 0 : index
      %parallel_loop3A_198 = tpu.vector_load %parallel_loop3A_195[%parallel_loop3A_196, %parallel_loop3A_197] {strides = array<i32>} : memref<128x128xf32, #tpu.memory_space<vmem>>, vector<16xf32>,
      %parallel_loop3A_199 = arith.constant 0 : i32
      %parallel_loop3A_200 = arith.constant 0 : i32
      %parallel_loop3A_201 = tpu.memref_slice %arg10[%parallel_loop3A_92, %parallel_loop3A_199, %parallel_loop3A_200] : memref<3x128x128xf32, #tpu.memory_space<vmem>> -> memref<1x128x128xf32, #tpu.memory_space<vmem>>
      %parallel_loop3A_202 = tpu.memref_squeeze %parallel_loop3A_201 : memref<1x128x128xf32, #tpu.memory_space<vmem>> -> memref<128x128xf32, #tpu.memory_space<vmem>>
      %parallel_loop3A_203 = arith.index_cast %parallel_loop3A_191 : i32 to index
      %parallel_loop3A_204 = arith.constant 0 : index
      %parallel_loop3A_205 = tpu.vector_load %parallel_loop3A_202[%parallel_loop3A_203, %parallel_loop3A_204] {strides = array<i32>} : memref<128x128xf32, #tpu.memory_space<vmem>>, vector<16xf32>,
      %parallel_loop3A_206 = arith.mulf %parallel_loop3A_198, %parallel_loop3A_205 : vector<16xf32>
      %parallel_loop3A_207 = arith.constant 0 : i32
      %parallel_loop3A_208 = arith.constant 0 : i32
      %parallel_loop3A_209 = tpu.memref_slice %arg9[%parallel_loop3A_91, %parallel_loop3A_207, %parallel_loop3A_208] : memref<3x128x128xf32, #tpu.memory_space<vmem>> -> memref<1x128x128xf32, #tpu.memory_space<vmem>>
      %parallel_loop3A_210 = tpu.memref_squeeze %parallel_loop3A_209 : memref<1x128x128xf32, #tpu.memory_space<vmem>> -> memref<128x128xf32, #tpu.memory_space<vmem>>
      %parallel_loop3A_211 = arith.index_cast %parallel_loop3A_191 : i32 to index
      %parallel_loop3A_212 = arith.constant 16 : index
      %parallel_loop3A_213 = tpu.vector_load %parallel_loop3A_210[%parallel_loop3A_211, %parallel_loop3A_212] {strides = array<i32>} : memref<128x128xf32, #tpu.memory_space<vmem>>, vector<16xf32>,
      %parallel_loop3A_214 = arith.constant 0 : i32
      %parallel_loop3A_215 = arith.constant 0 : i32
      %parallel_loop3A_216 = tpu.memref_slice %arg10[%parallel_loop3A_92, %parallel_loop3A_214, %parallel_loop3A_215] : memref<3x128x128xf32, #tpu.memory_space<vmem>> -> memref<1x128x128xf32, #tpu.memory_space<vmem>>
      %parallel_loop3A_217 = tpu.memref_squeeze %parallel_loop3A_216 : memref<1x128x128xf32, #tpu.memory_space<vmem>> -> memref<128x128xf32, #tpu.memory_space<vmem>>
      %parallel_loop3A_218 = arith.index_cast %parallel_loop3A_191 : i32 to index
      %parallel_loop3A_219 = arith.constant 16 : index
      %parallel_loop3A_220 = tpu.vector_load %parallel_loop3A_217[%parallel_loop3A_218, %parallel_loop3A_219] {strides = array<i32>} : memref<128x128xf32, #tpu.memory_space<vmem>>, vector<16xf32>,
      %parallel_loop3A_221 = arith.mulf %parallel_loop3A_213, %parallel_loop3A_220 : vector<16xf32>
      %parallel_loop3A_222 = arith.constant 0 : i32
      %parallel_loop3A_223 = arith.constant 0 : i32
      %parallel_loop3A_224 = tpu.memref_slice %arg9[%parallel_loop3A_91, %parallel_loop3A_222, %parallel_loop3A_223] : memref<3x128x128xf32, #tpu.memory_space<vmem>> -> memref<1x128x128xf32, #tpu.memory_space<vmem>>
      %parallel_loop3A_225 = tpu.memref_squeeze %parallel_loop3A_224 : memref<1x128x128xf32, #tpu.memory_space<vmem>> -> memref<128x128xf32, #tpu.memory_space<vmem>>
      %parallel_loop3A_226 = arith.index_cast %parallel_loop3A_191 : i32 to index
      %parallel_loop3A_227 = arith.constant 32 : index
      %parallel_loop3A_228 = tpu.vector_load %parallel_loop3A_225[%parallel_loop3A_226, %parallel_loop3A_227] {strides = array<i32>} : memref<128x128xf32, #tpu.memory_space<vmem>>, vector<16xf32>,
      %parallel_loop3A_229 = arith.constant 0 : i32
      %parallel_loop3A_230 = arith.constant 0 : i32
      %parallel_loop3A_231 = tpu.memref_slice %arg10[%parallel_loop3A_92, %parallel_loop3A_229, %parallel_loop3A_230] : memref<3x128x128xf32, #tpu.memory_space<vmem>> -> memref<1x128x128xf32, #tpu.memory_space<vmem>>
      %parallel_loop3A_232 = tpu.memref_squeeze %parallel_loop3A_231 : memref<1x128x128xf32, #tpu.memory_space<vmem>> -> memref<128x128xf32, #tpu.memory_space<vmem>>
      %parallel_loop3A_233 = arith.index_cast %parallel_loop3A_191 : i32 to index
      %parallel_loop3A_234 = arith.constant 32 : index
      %parallel_loop3A_235 = tpu.vector_load %parallel_loop3A_232[%parallel_loop3A_233, %parallel_loop3A_234] {strides = array<i32>} : memref<128x128xf32, #tpu.memory_space<vmem>>, vector<16xf32>,
      %parallel_loop3A_236 = arith.mulf %parallel_loop3A_228, %parallel_loop3A_235 : vector<16xf32>
      %parallel_loop3A_237 = arith.constant 0 : i32
      %parallel_loop3A_238 = arith.constant 0 : i32
      %parallel_loop3A_239 = tpu.memref_slice %arg9[%parallel_loop3A_91, %parallel_loop3A_237, %parallel_loop3A_238] : memref<3x128x128xf32, #tpu.memory_space<vmem>> -> memref<1x128x128xf32, #tpu.memory_space<vmem>>
      %parallel_loop3A_240 = tpu.memref_squeeze %parallel_loop3A_239 : memref<1x128x128xf32, #tpu.memory_space<vmem>> -> memref<128x128xf32, #tpu.memory_space<vmem>>
      %parallel_loop3A_241 = arith.index_cast %parallel_loop3A_191 : i32 to index
      %parallel_loop3A_242 = arith.constant 48 : index
      %parallel_loop3A_243 = tpu.vector_load %parallel_loop3A_240[%parallel_loop3A_241, %parallel_loop3A_242] {strides = array<i32>} : memref<128x128xf32, #tpu.memory_space<vmem>>, vector<16xf32>,
      %parallel_loop3A_244 = arith.constant 0 : i32
      %parallel_loop3A_245 = arith.constant 0 : i32
      %parallel_loop3A_246 = tpu.memref_slice %arg10[%parallel_loop3A_92, %parallel_loop3A_244, %parallel_loop3A_245] : memref<3x128x128xf32, #tpu.memory_space<vmem>> -> memref<1x128x128xf32, #tpu.memory_space<vmem>>
      %parallel_loop3A_247 = tpu.memref_squeeze %parallel_loop3A_246 : memref<1x128x128xf32, #tpu.memory_space<vmem>> -> memref<128x128xf32, #tpu.memory_space<vmem>>
      %parallel_loop3A_248 = arith.index_cast %parallel_loop3A_191 : i32 to index
      %parallel_loop3A_249 = arith.constant 48 : index
      %parallel_loop3A_250 = tpu.vector_load %parallel_loop3A_247[%parallel_loop3A_248, %parallel_loop3A_249] {strides = array<i32>} : memref<128x128xf32, #tpu.memory_space<vmem>>, vector<16xf32>,
      %parallel_loop3A_251 = arith.mulf %parallel_loop3A_243, %parallel_loop3A_250 : vector<16xf32>
      %parallel_loop3A_252 = arith.constant 0 : i32
      %parallel_loop3A_253 = arith.constant 0 : i32
      %parallel_loop3A_254 = tpu.memref_slice %arg9[%parallel_loop3A_91, %parallel_loop3A_252, %parallel_loop3A_253] : memref<3x128x128xf32, #tpu.memory_space<vmem>> -> memref<1x128x128xf32, #tpu.memory_space<vmem>>
      %parallel_loop3A_255 = tpu.memref_squeeze %parallel_loop3A_254 : memref<1x128x128xf32, #tpu.memory_space<vmem>> -> memref<128x128xf32, #tpu.memory_space<vmem>>
      %parallel_loop3A_256 = arith.index_cast %parallel_loop3A_191 : i32 to index
      %parallel_loop3A_257 = arith.constant 64 : index
      %parallel_loop3A_258 = tpu.vector_load %parallel_loop3A_255[%parallel_loop3A_256, %parallel_loop3A_257] {strides = array<i32>} : memref<128x128xf32, #tpu.memory_space<vmem>>, vector<16xf32>,
      %parallel_loop3A_259 = arith.constant 0 : i32
      %parallel_loop3A_260 = arith.constant 0 : i32
      %parallel_loop3A_261 = tpu.memref_slice %arg10[%parallel_loop3A_92, %parallel_loop3A_259, %parallel_loop3A_260] : memref<3x128x128xf32, #tpu.memory_space<vmem>> -> memref<1x128x128xf32, #tpu.memory_space<vmem>>
      %parallel_loop3A_262 = tpu.memref_squeeze %parallel_loop3A_261 : memref<1x128x128xf32, #tpu.memory_space<vmem>> -> memref<128x128xf32, #tpu.memory_space<vmem>>
      %parallel_loop3A_263 = arith.index_cast %parallel_loop3A_191 : i32 to index
      %parallel_loop3A_264 = arith.constant 64 : index
      %parallel_loop3A_265 = tpu.vector_load %parallel_loop3A_262[%parallel_loop3A_263, %parallel_loop3A_264] {strides = array<i32>} : memref<128x128xf32, #tpu.memory_space<vmem>>, vector<16xf32>,
      %parallel_loop3A_266 = arith.mulf %parallel_loop3A_258, %parallel_loop3A_265 : vector<16xf32>
      %parallel_loop3A_267 = arith.constant 0 : i32
      %parallel_loop3A_268 = arith.constant 0 : i32
      %parallel_loop3A_269 = tpu.memref_slice %arg9[%parallel_loop3A_91, %parallel_loop3A_267, %parallel_loop3A_268] : memref<3x128x128xf32, #tpu.memory_space<vmem>> -> memref<1x128x128xf32, #tpu.memory_space<vmem>>
      %parallel_loop3A_270 = tpu.memref_squeeze %parallel_loop3A_269 : memref<1x128x128xf32, #tpu.memory_space<vmem>> -> memref<128x128xf32, #tpu.memory_space<vmem>>
      %parallel_loop3A_271 = arith.index_cast %parallel_loop3A_191 : i32 to index
      %parallel_loop3A_272 = arith.constant 80 : index
      %parallel_loop3A_273 = tpu.vector_load %parallel_loop3A_270[%parallel_loop3A_271, %parallel_loop3A_272] {strides = array<i32>} : memref<128x128xf32, #tpu.memory_space<vmem>>, vector<16xf32>,
      %parallel_loop3A_274 = arith.constant 0 : i32
      %parallel_loop3A_275 = arith.constant 0 : i32
      %parallel_loop3A_276 = tpu.memref_slice %arg10[%parallel_loop3A_92, %parallel_loop3A_274, %parallel_loop3A_275] : memref<3x128x128xf32, #tpu.memory_space<vmem>> -> memref<1x128x128xf32, #tpu.memory_space<vmem>>
      %parallel_loop3A_277 = tpu.memref_squeeze %parallel_loop3A_276 : memref<1x128x128xf32, #tpu.memory_space<vmem>> -> memref<128x128xf32, #tpu.memory_space<vmem>>
      %parallel_loop3A_278 = arith.index_cast %parallel_loop3A_191 : i32 to index
      %parallel_loop3A_279 = arith.constant 80 : index
      %parallel_loop3A_280 = tpu.vector_load %parallel_loop3A_277[%parallel_loop3A_278, %parallel_loop3A_279] {strides = array<i32>} : memref<128x128xf32, #tpu.memory_space<vmem>>, vector<16xf32>,
      %parallel_loop3A_281 = arith.mulf %parallel_loop3A_273, %parallel_loop3A_280 : vector<16xf32>
      %parallel_loop3A_282 = arith.constant 0 : i32
      %parallel_loop3A_283 = arith.constant 0 : i32
      %parallel_loop3A_284 = tpu.memref_slice %arg9[%parallel_loop3A_91, %parallel_loop3A_282, %parallel_loop3A_283] : memref<3x128x128xf32, #tpu.memory_space<vmem>> -> memref<1x128x128xf32, #tpu.memory_space<vmem>>
      %parallel_loop3A_285 = tpu.memref_squeeze %parallel_loop3A_284 : memref<1x128x128xf32, #tpu.memory_space<vmem>> -> memref<128x128xf32, #tpu.memory_space<vmem>>
      %parallel_loop3A_286 = arith.index_cast %parallel_loop3A_191 : i32 to index
      %parallel_loop3A_287 = arith.constant 96 : index
      %parallel_loop3A_288 = tpu.vector_load %parallel_loop3A_285[%parallel_loop3A_286, %parallel_loop3A_287] {strides = array<i32>} : memref<128x128xf32, #tpu.memory_space<vmem>>, vector<16xf32>,
      %parallel_loop3A_289 = arith.constant 0 : i32
      %parallel_loop3A_290 = arith.constant 0 : i32
      %parallel_loop3A_291 = tpu.memref_slice %arg10[%parallel_loop3A_92, %parallel_loop3A_289, %parallel_loop3A_290] : memref<3x128x128xf32, #tpu.memory_space<vmem>> -> memref<1x128x128xf32, #tpu.memory_space<vmem>>
      %parallel_loop3A_292 = tpu.memref_squeeze %parallel_loop3A_291 : memref<1x128x128xf32, #tpu.memory_space<vmem>> -> memref<128x128xf32, #tpu.memory_space<vmem>>
      %parallel_loop3A_293 = arith.index_cast %parallel_loop3A_191 : i32 to index
      %parallel_loop3A_294 = arith.constant 96 : index
      %parallel_loop3A_295 = tpu.vector_load %parallel_loop3A_292[%parallel_loop3A_293, %parallel_loop3A_294] {strides = array<i32>} : memref<128x128xf32, #tpu.memory_space<vmem>>, vector<16xf32>,
      %parallel_loop3A_296 = arith.mulf %parallel_loop3A_288, %parallel_loop3A_295 : vector<16xf32>
      %parallel_loop3A_297 = arith.constant 0 : i32
      %parallel_loop3A_298 = arith.constant 0 : i32
      %parallel_loop3A_299 = tpu.memref_slice %arg9[%parallel_loop3A_91, %parallel_loop3A_297, %parallel_loop3A_298] : memref<3x128x128xf32, #tpu.memory_space<vmem>> -> memref<1x128x128xf32, #tpu.memory_space<vmem>>
      %parallel_loop3A_300 = tpu.memref_squeeze %parallel_loop3A_299 : memref<1x128x128xf32, #tpu.memory_space<vmem>> -> memref<128x128xf32, #tpu.memory_space<vmem>>
      %parallel_loop3A_301 = arith.index_cast %parallel_loop3A_191 : i32 to index
      %parallel_loop3A_302 = arith.constant 112 : index
      %parallel_loop3A_303 = tpu.vector_load %parallel_loop3A_300[%parallel_loop3A_301, %parallel_loop3A_302] {strides = array<i32>} : memref<128x128xf32, #tpu.memory_space<vmem>>, vector<16xf32>,
      %parallel_loop3A_304 = arith.constant 0 : i32
      %parallel_loop3A_305 = arith.constant 0 : i32
      %parallel_loop3A_306 = tpu.memref_slice %arg10[%parallel_loop3A_92, %parallel_loop3A_304, %parallel_loop3A_305] : memref<3x128x128xf32, #tpu.memory_space<vmem>> -> memref<1x128x128xf32, #tpu.memory_space<vmem>>
      %parallel_loop3A_307 = tpu.memref_squeeze %parallel_loop3A_306 : memref<1x128x128xf32, #tpu.memory_space<vmem>> -> memref<128x128xf32, #tpu.memory_space<vmem>>
      %parallel_loop3A_308 = arith.index_cast %parallel_loop3A_191 : i32 to index
      %parallel_loop3A_309 = arith.constant 112 : index
      %parallel_loop3A_310 = tpu.vector_load %parallel_loop3A_307[%parallel_loop3A_308, %parallel_loop3A_309] {strides = array<i32>} : memref<128x128xf32, #tpu.memory_space<vmem>>, vector<16xf32>,
      %parallel_loop3A_311 = arith.mulf %parallel_loop3A_303, %parallel_loop3A_310 : vector<16xf32>
      %parallel_loop3A_312 = arith.addf %parallel_loop3A_206, %parallel_loop3A_221 : vector<16xf32>
      %parallel_loop3A_313 = arith.addf %parallel_loop3A_236, %parallel_loop3A_251 : vector<16xf32>
      %parallel_loop3A_314 = arith.addf %parallel_loop3A_266, %parallel_loop3A_281 : vector<16xf32>
      %parallel_loop3A_315 = arith.addf %parallel_loop3A_296, %parallel_loop3A_311 : vector<16xf32>
      %parallel_loop3A_316 = arith.addf %parallel_loop3A_312, %parallel_loop3A_313 : vector<16xf32>
      %parallel_loop3A_317 = arith.addf %parallel_loop3A_314, %parallel_loop3A_315 : vector<16xf32>
      %parallel_loop3A_318 = arith.addf %parallel_loop3A_316, %parallel_loop3A_317 : vector<16xf32>
      %parallel_loop3A_319 = arith.constant true
      %parallel_loop3A_320 = vector.broadcast %parallel_loop3A_319 : i1 to vector<16xi1>
      %parallel_loop3A_321 = tpu.scan <sum>, %parallel_loop3A_318 masked %parallel_loop3A_320 : vector<16xf32>, vector<16xi1> -> vector<16xf32>
      %parallel_loop3A_322 = arith.constant 0 : i32
      %parallel_loop3A_323 = arith.addi %parallel_loop3A_322, %parallel_loop3A_191 : i32
      %parallel_loop3A_324 = arith.constant 15 : i32
      %parallel_loop3A_325 = vector.broadcast %parallel_loop3A_324 : i32 to vector<16xi32>
      %parallel_loop3A_326 = arith.cmpi eq, %iota3A, %parallel_loop3A_325 : vector<16xi32>
      %parallel_loop3A_327 = arith.index_cast %parallel_loop3A_323 : i32 to index
      %parallel_loop3A_328 = tpu.vector_load %arg11[%parallel_loop3A_327] masked %parallel_loop3A_326 {strides = array<i32>} : memref<520xf32, #tpu.memory_space<vmem>>, vector<16xf32>, vector<16xi1>
      tpu.vector_store %arg11[%parallel_loop3A_327], %parallel_loop3A_321 masked %parallel_loop3A_326 {strides = array<i32>} : memref<520xf32, #tpu.memory_space<vmem>>, vector<16xf32>, vector<16xi1>
    } {sc.loop_unroll_factor = 2 : i64, sc.parallel_access}
    %dma_start3A_93 = arith.constant 0 : i32
    %dma_start3A_94 = arith.constant 0 : i32
    %dma_start3A_95 = arith.constant 0 : i32
    %dma_start3A_96 = tpu.memref_slice %arg9[%dma_start3A_93, %dma_start3A_94, %dma_start3A_95] : memref<3x128x128xf32, #tpu.memory_space<vmem>> -> memref<1x128x128xf32, #tpu.memory_space<vmem>>
    %dma_start3A_97 = tpu.memref_squeeze %dma_start3A_96 : memref<1x128x128xf32, #tpu.memory_space<vmem>> -> memref<128x128xf32, #tpu.memory_space<vmem>>
    %dma_start3A_98 = arith.constant 384 : i32
    %dma_start3A_99 = tpu.memref_slice %arg7[%dma_start3A_98] : memref<512xi32, #tpu.memory_space<vmem>> -> memref<128xi32, #tpu.memory_space<vmem>>
    %dma_start3A_100 = arith.constant 0 : i32
    %dma_start3A_101 = arith.constant 0 : i32
    %dma_start3A_102 = tpu.memref_slice %arg4[%dma_start3A_100, %dma_start3A_101] : memref<1000000x128xf32, #tpu.memory_space<hbm>> -> memref<1000000x128xf32, #tpu.memory_space<hbm>>
    tpu.enqueue_indirect_dma source(%dma_start3A_102 : memref<1000000x128xf32, #tpu.memory_space<hbm>>) target(%dma_start3A_97 : memref<128x128xf32, #tpu.memory_space<vmem>>) offsets(%dma_start3A_99 : memref<128xi32, #tpu.memory_space<vmem>>) semaphore(%arg12 : memref<!tpu.dma_semaphore, #tpu.memory_space<semaphore_mem>>)
    %dma_start3A_103 = arith.constant 0 : i32
    %dma_start3A_104 = arith.constant 0 : i32
    %dma_start3A_105 = arith.constant 0 : i32
    %dma_start3A_106 = tpu.memref_slice %arg10[%dma_start3A_103, %dma_start3A_104, %dma_start3A_105] : memref<3x128x128xf32, #tpu.memory_space<vmem>> -> memref<1x128x128xf32, #tpu.memory_space<vmem>>
    %dma_start3A_107 = tpu.memref_squeeze %dma_start3A_106 : memref<1x128x128xf32, #tpu.memory_space<vmem>> -> memref<128x128xf32, #tpu.memory_space<vmem>>
    %dma_start3A_108 = arith.constant 384 : i32
    %dma_start3A_109 = tpu.memref_slice %arg8[%dma_start3A_108] : memref<512xi32, #tpu.memory_space<vmem>> -> memref<128xi32, #tpu.memory_space<vmem>>
    %dma_start3A_110 = arith.constant 0 : i32
    %dma_start3A_111 = arith.constant 0 : i32
    %dma_start3A_112 = tpu.memref_slice %arg5[%dma_start3A_110, %dma_start3A_111] : memref<100000x128xf32, #tpu.memory_space<hbm>> -> memref<100000x128xf32, #tpu.memory_space<hbm>>
    tpu.enqueue_indirect_dma source(%dma_start3A_112 : memref<100000x128xf32, #tpu.memory_space<hbm>>) target(%dma_start3A_107 : memref<128x128xf32, #tpu.memory_space<vmem>>) offsets(%dma_start3A_109 : memref<128xi32, #tpu.memory_space<vmem>>) semaphore(%arg13 : memref<!tpu.dma_semaphore, #tpu.memory_space<semaphore_mem>>)
    %dma_wait3A_113 = arith.constant 1 : i32
    %dma_wait3A_114 = arith.constant 0 : i32
    %dma_wait3A_115 = arith.constant 0 : i32
    %dma_wait3A_116 = tpu.memref_slice %arg9[%dma_wait3A_113, %dma_wait3A_114, %dma_wait3A_115] : memref<3x128x128xf32, #tpu.memory_space<vmem>> -> memref<1x128x128xf32, #tpu.memory_space<vmem>>
    %dma_wait3A_117 = tpu.memref_squeeze %dma_wait3A_116 : memref<1x128x128xf32, #tpu.memory_space<vmem>> -> memref<128x128xf32, #tpu.memory_space<vmem>>
    %dma_wait3A_118 = arith.constant 128 : i32
    %dma_wait3A_119 = tpu.memref_slice %arg7[%dma_wait3A_118] : memref<512xi32, #tpu.memory_space<vmem>> -> memref<128xi32, #tpu.memory_space<vmem>>
    %dma_wait3A_120 = arith.constant 0 : i32
    %dma_wait3A_121 = arith.constant 0 : i32
    %dma_wait3A_122 = tpu.memref_slice %arg4[%dma_wait3A_120, %dma_wait3A_121] : memref<1000000x128xf32, #tpu.memory_space<hbm>> -> memref<1000000x128xf32, #tpu.memory_space<hbm>>
    tpu.wait_indirect_dma semaphore(%arg12 : memref<!tpu.dma_semaphore, #tpu.memory_space<semaphore_mem>>) src(%dma_wait3A_122 : memref<1000000x128xf32, #tpu.memory_space<hbm>>) dst(%dma_wait3A_117 : memref<128x128xf32, #tpu.memory_space<vmem>>)
    %dma_wait3A_123 = arith.constant 1 : i32
    %dma_wait3A_124 = arith.constant 0 : i32
    %dma_wait3A_125 = arith.constant 0 : i32
    %dma_wait3A_126 = tpu.memref_slice %arg10[%dma_wait3A_123, %dma_wait3A_124, %dma_wait3A_125] : memref<3x128x128xf32, #tpu.memory_space<vmem>> -> memref<1x128x128xf32, #tpu.memory_space<vmem>>
    %dma_wait3A_127 = tpu.memref_squeeze %dma_wait3A_126 : memref<1x128x128xf32, #tpu.memory_space<vmem>> -> memref<128x128xf32, #tpu.memory_space<vmem>>
    %dma_wait3A_128 = arith.constant 128 : i32
    %dma_wait3A_129 = tpu.memref_slice %arg8[%dma_wait3A_128] : memref<512xi32, #tpu.memory_space<vmem>> -> memref<128xi32, #tpu.memory_space<vmem>>
    %dma_wait3A_130 = arith.constant 0 : i32
    %dma_wait3A_131 = arith.constant 0 : i32
    %dma_wait3A_132 = tpu.memref_slice %arg5[%dma_wait3A_130, %dma_wait3A_131] : memref<100000x128xf32, #tpu.memory_space<hbm>> -> memref<100000x128xf32, #tpu.memory_space<hbm>>
    tpu.wait_indirect_dma semaphore(%arg13 : memref<!tpu.dma_semaphore, #tpu.memory_space<semaphore_mem>>) src(%dma_wait3A_132 : memref<100000x128xf32, #tpu.memory_space<hbm>>) dst(%dma_wait3A_127 : memref<128x128xf32, #tpu.memory_space<vmem>>)
    %iota3A_133 = tpu.iota {dimensions = array<i32: 0>} : vector<16xi32>
    %parallel_loop3A_134 = arith.constant 0 : i32
    %parallel_loop3A_135 = arith.constant 128 : i32
    %parallel_loop3A_136 = arith.constant 1 : i32
    %parallel_loop3A_137 = arith.constant 1 : i32
    %parallel_loop3A_138 = arith.constant 1 : i32
    scf.for %parallel_loop3A_191 = %parallel_loop3A_134 to %parallel_loop3A_135 step %parallel_loop3A_136  : i32 {
      %parallel_loop3A_192 = arith.constant 0 : i32
      %parallel_loop3A_193 = arith.constant 0 : i32
      %parallel_loop3A_194 = tpu.memref_slice %arg9[%parallel_loop3A_137, %parallel_loop3A_192, %parallel_loop3A_193] : memref<3x128x128xf32, #tpu.memory_space<vmem>> -> memref<1x128x128xf32, #tpu.memory_space<vmem>>
      %parallel_loop3A_195 = tpu.memref_squeeze %parallel_loop3A_194 : memref<1x128x128xf32, #tpu.memory_space<vmem>> -> memref<128x128xf32, #tpu.memory_space<vmem>>
      %parallel_loop3A_196 = arith.index_cast %parallel_loop3A_191 : i32 to index
      %parallel_loop3A_197 = arith.constant 0 : index
      %parallel_loop3A_198 = tpu.vector_load %parallel_loop3A_195[%parallel_loop3A_196, %parallel_loop3A_197] {strides = array<i32>} : memref<128x128xf32, #tpu.memory_space<vmem>>, vector<16xf32>,
      %parallel_loop3A_199 = arith.constant 0 : i32
      %parallel_loop3A_200 = arith.constant 0 : i32
      %parallel_loop3A_201 = tpu.memref_slice %arg10[%parallel_loop3A_138, %parallel_loop3A_199, %parallel_loop3A_200] : memref<3x128x128xf32, #tpu.memory_space<vmem>> -> memref<1x128x128xf32, #tpu.memory_space<vmem>>
      %parallel_loop3A_202 = tpu.memref_squeeze %parallel_loop3A_201 : memref<1x128x128xf32, #tpu.memory_space<vmem>> -> memref<128x128xf32, #tpu.memory_space<vmem>>
      %parallel_loop3A_203 = arith.index_cast %parallel_loop3A_191 : i32 to index
      %parallel_loop3A_204 = arith.constant 0 : index
      %parallel_loop3A_205 = tpu.vector_load %parallel_loop3A_202[%parallel_loop3A_203, %parallel_loop3A_204] {strides = array<i32>} : memref<128x128xf32, #tpu.memory_space<vmem>>, vector<16xf32>,
      %parallel_loop3A_206 = arith.mulf %parallel_loop3A_198, %parallel_loop3A_205 : vector<16xf32>
      %parallel_loop3A_207 = arith.constant 0 : i32
      %parallel_loop3A_208 = arith.constant 0 : i32
      %parallel_loop3A_209 = tpu.memref_slice %arg9[%parallel_loop3A_137, %parallel_loop3A_207, %parallel_loop3A_208] : memref<3x128x128xf32, #tpu.memory_space<vmem>> -> memref<1x128x128xf32, #tpu.memory_space<vmem>>
      %parallel_loop3A_210 = tpu.memref_squeeze %parallel_loop3A_209 : memref<1x128x128xf32, #tpu.memory_space<vmem>> -> memref<128x128xf32, #tpu.memory_space<vmem>>
      %parallel_loop3A_211 = arith.index_cast %parallel_loop3A_191 : i32 to index
      %parallel_loop3A_212 = arith.constant 16 : index
      %parallel_loop3A_213 = tpu.vector_load %parallel_loop3A_210[%parallel_loop3A_211, %parallel_loop3A_212] {strides = array<i32>} : memref<128x128xf32, #tpu.memory_space<vmem>>, vector<16xf32>,
      %parallel_loop3A_214 = arith.constant 0 : i32
      %parallel_loop3A_215 = arith.constant 0 : i32
      %parallel_loop3A_216 = tpu.memref_slice %arg10[%parallel_loop3A_138, %parallel_loop3A_214, %parallel_loop3A_215] : memref<3x128x128xf32, #tpu.memory_space<vmem>> -> memref<1x128x128xf32, #tpu.memory_space<vmem>>
      %parallel_loop3A_217 = tpu.memref_squeeze %parallel_loop3A_216 : memref<1x128x128xf32, #tpu.memory_space<vmem>> -> memref<128x128xf32, #tpu.memory_space<vmem>>
      %parallel_loop3A_218 = arith.index_cast %parallel_loop3A_191 : i32 to index
      %parallel_loop3A_219 = arith.constant 16 : index
      %parallel_loop3A_220 = tpu.vector_load %parallel_loop3A_217[%parallel_loop3A_218, %parallel_loop3A_219] {strides = array<i32>} : memref<128x128xf32, #tpu.memory_space<vmem>>, vector<16xf32>,
      %parallel_loop3A_221 = arith.mulf %parallel_loop3A_213, %parallel_loop3A_220 : vector<16xf32>
      %parallel_loop3A_222 = arith.constant 0 : i32
      %parallel_loop3A_223 = arith.constant 0 : i32
      %parallel_loop3A_224 = tpu.memref_slice %arg9[%parallel_loop3A_137, %parallel_loop3A_222, %parallel_loop3A_223] : memref<3x128x128xf32, #tpu.memory_space<vmem>> -> memref<1x128x128xf32, #tpu.memory_space<vmem>>
      %parallel_loop3A_225 = tpu.memref_squeeze %parallel_loop3A_224 : memref<1x128x128xf32, #tpu.memory_space<vmem>> -> memref<128x128xf32, #tpu.memory_space<vmem>>
      %parallel_loop3A_226 = arith.index_cast %parallel_loop3A_191 : i32 to index
      %parallel_loop3A_227 = arith.constant 32 : index
      %parallel_loop3A_228 = tpu.vector_load %parallel_loop3A_225[%parallel_loop3A_226, %parallel_loop3A_227] {strides = array<i32>} : memref<128x128xf32, #tpu.memory_space<vmem>>, vector<16xf32>,
      %parallel_loop3A_229 = arith.constant 0 : i32
      %parallel_loop3A_230 = arith.constant 0 : i32
      %parallel_loop3A_231 = tpu.memref_slice %arg10[%parallel_loop3A_138, %parallel_loop3A_229, %parallel_loop3A_230] : memref<3x128x128xf32, #tpu.memory_space<vmem>> -> memref<1x128x128xf32, #tpu.memory_space<vmem>>
      %parallel_loop3A_232 = tpu.memref_squeeze %parallel_loop3A_231 : memref<1x128x128xf32, #tpu.memory_space<vmem>> -> memref<128x128xf32, #tpu.memory_space<vmem>>
      %parallel_loop3A_233 = arith.index_cast %parallel_loop3A_191 : i32 to index
      %parallel_loop3A_234 = arith.constant 32 : index
      %parallel_loop3A_235 = tpu.vector_load %parallel_loop3A_232[%parallel_loop3A_233, %parallel_loop3A_234] {strides = array<i32>} : memref<128x128xf32, #tpu.memory_space<vmem>>, vector<16xf32>,
      %parallel_loop3A_236 = arith.mulf %parallel_loop3A_228, %parallel_loop3A_235 : vector<16xf32>
      %parallel_loop3A_237 = arith.constant 0 : i32
      %parallel_loop3A_238 = arith.constant 0 : i32
      %parallel_loop3A_239 = tpu.memref_slice %arg9[%parallel_loop3A_137, %parallel_loop3A_237, %parallel_loop3A_238] : memref<3x128x128xf32, #tpu.memory_space<vmem>> -> memref<1x128x128xf32, #tpu.memory_space<vmem>>
      %parallel_loop3A_240 = tpu.memref_squeeze %parallel_loop3A_239 : memref<1x128x128xf32, #tpu.memory_space<vmem>> -> memref<128x128xf32, #tpu.memory_space<vmem>>
      %parallel_loop3A_241 = arith.index_cast %parallel_loop3A_191 : i32 to index
      %parallel_loop3A_242 = arith.constant 48 : index
      %parallel_loop3A_243 = tpu.vector_load %parallel_loop3A_240[%parallel_loop3A_241, %parallel_loop3A_242] {strides = array<i32>} : memref<128x128xf32, #tpu.memory_space<vmem>>, vector<16xf32>,
      %parallel_loop3A_244 = arith.constant 0 : i32
      %parallel_loop3A_245 = arith.constant 0 : i32
      %parallel_loop3A_246 = tpu.memref_slice %arg10[%parallel_loop3A_138, %parallel_loop3A_244, %parallel_loop3A_245] : memref<3x128x128xf32, #tpu.memory_space<vmem>> -> memref<1x128x128xf32, #tpu.memory_space<vmem>>
      %parallel_loop3A_247 = tpu.memref_squeeze %parallel_loop3A_246 : memref<1x128x128xf32, #tpu.memory_space<vmem>> -> memref<128x128xf32, #tpu.memory_space<vmem>>
      %parallel_loop3A_248 = arith.index_cast %parallel_loop3A_191 : i32 to index
      %parallel_loop3A_249 = arith.constant 48 : index
      %parallel_loop3A_250 = tpu.vector_load %parallel_loop3A_247[%parallel_loop3A_248, %parallel_loop3A_249] {strides = array<i32>} : memref<128x128xf32, #tpu.memory_space<vmem>>, vector<16xf32>,
      %parallel_loop3A_251 = arith.mulf %parallel_loop3A_243, %parallel_loop3A_250 : vector<16xf32>
      %parallel_loop3A_252 = arith.constant 0 : i32
      %parallel_loop3A_253 = arith.constant 0 : i32
      %parallel_loop3A_254 = tpu.memref_slice %arg9[%parallel_loop3A_137, %parallel_loop3A_252, %parallel_loop3A_253] : memref<3x128x128xf32, #tpu.memory_space<vmem>> -> memref<1x128x128xf32, #tpu.memory_space<vmem>>
      %parallel_loop3A_255 = tpu.memref_squeeze %parallel_loop3A_254 : memref<1x128x128xf32, #tpu.memory_space<vmem>> -> memref<128x128xf32, #tpu.memory_space<vmem>>
      %parallel_loop3A_256 = arith.index_cast %parallel_loop3A_191 : i32 to index
      %parallel_loop3A_257 = arith.constant 64 : index
      %parallel_loop3A_258 = tpu.vector_load %parallel_loop3A_255[%parallel_loop3A_256, %parallel_loop3A_257] {strides = array<i32>} : memref<128x128xf32, #tpu.memory_space<vmem>>, vector<16xf32>,
      %parallel_loop3A_259 = arith.constant 0 : i32
      %parallel_loop3A_260 = arith.constant 0 : i32
      %parallel_loop3A_261 = tpu.memref_slice %arg10[%parallel_loop3A_138, %parallel_loop3A_259, %parallel_loop3A_260] : memref<3x128x128xf32, #tpu.memory_space<vmem>> -> memref<1x128x128xf32, #tpu.memory_space<vmem>>
      %parallel_loop3A_262 = tpu.memref_squeeze %parallel_loop3A_261 : memref<1x128x128xf32, #tpu.memory_space<vmem>> -> memref<128x128xf32, #tpu.memory_space<vmem>>
      %parallel_loop3A_263 = arith.index_cast %parallel_loop3A_191 : i32 to index
      %parallel_loop3A_264 = arith.constant 64 : index
      %parallel_loop3A_265 = tpu.vector_load %parallel_loop3A_262[%parallel_loop3A_263, %parallel_loop3A_264] {strides = array<i32>} : memref<128x128xf32, #tpu.memory_space<vmem>>, vector<16xf32>,
      %parallel_loop3A_266 = arith.mulf %parallel_loop3A_258, %parallel_loop3A_265 : vector<16xf32>
      %parallel_loop3A_267 = arith.constant 0 : i32
      %parallel_loop3A_268 = arith.constant 0 : i32
      %parallel_loop3A_269 = tpu.memref_slice %arg9[%parallel_loop3A_137, %parallel_loop3A_267, %parallel_loop3A_268] : memref<3x128x128xf32, #tpu.memory_space<vmem>> -> memref<1x128x128xf32, #tpu.memory_space<vmem>>
      %parallel_loop3A_270 = tpu.memref_squeeze %parallel_loop3A_269 : memref<1x128x128xf32, #tpu.memory_space<vmem>> -> memref<128x128xf32, #tpu.memory_space<vmem>>
      %parallel_loop3A_271 = arith.index_cast %parallel_loop3A_191 : i32 to index
      %parallel_loop3A_272 = arith.constant 80 : index
      %parallel_loop3A_273 = tpu.vector_load %parallel_loop3A_270[%parallel_loop3A_271, %parallel_loop3A_272] {strides = array<i32>} : memref<128x128xf32, #tpu.memory_space<vmem>>, vector<16xf32>,
      %parallel_loop3A_274 = arith.constant 0 : i32
      %parallel_loop3A_275 = arith.constant 0 : i32
      %parallel_loop3A_276 = tpu.memref_slice %arg10[%parallel_loop3A_138, %parallel_loop3A_274, %parallel_loop3A_275] : memref<3x128x128xf32, #tpu.memory_space<vmem>> -> memref<1x128x128xf32, #tpu.memory_space<vmem>>
      %parallel_loop3A_277 = tpu.memref_squeeze %parallel_loop3A_276 : memref<1x128x128xf32, #tpu.memory_space<vmem>> -> memref<128x128xf32, #tpu.memory_space<vmem>>
      %parallel_loop3A_278 = arith.index_cast %parallel_loop3A_191 : i32 to index
      %parallel_loop3A_279 = arith.constant 80 : index
      %parallel_loop3A_280 = tpu.vector_load %parallel_loop3A_277[%parallel_loop3A_278, %parallel_loop3A_279] {strides = array<i32>} : memref<128x128xf32, #tpu.memory_space<vmem>>, vector<16xf32>,
      %parallel_loop3A_281 = arith.mulf %parallel_loop3A_273, %parallel_loop3A_280 : vector<16xf32>
      %parallel_loop3A_282 = arith.constant 0 : i32
      %parallel_loop3A_283 = arith.constant 0 : i32
      %parallel_loop3A_284 = tpu.memref_slice %arg9[%parallel_loop3A_137, %parallel_loop3A_282, %parallel_loop3A_283] : memref<3x128x128xf32, #tpu.memory_space<vmem>> -> memref<1x128x128xf32, #tpu.memory_space<vmem>>
      %parallel_loop3A_285 = tpu.memref_squeeze %parallel_loop3A_284 : memref<1x128x128xf32, #tpu.memory_space<vmem>> -> memref<128x128xf32, #tpu.memory_space<vmem>>
      %parallel_loop3A_286 = arith.index_cast %parallel_loop3A_191 : i32 to index
      %parallel_loop3A_287 = arith.constant 96 : index
      %parallel_loop3A_288 = tpu.vector_load %parallel_loop3A_285[%parallel_loop3A_286, %parallel_loop3A_287] {strides = array<i32>} : memref<128x128xf32, #tpu.memory_space<vmem>>, vector<16xf32>,
      %parallel_loop3A_289 = arith.constant 0 : i32
      %parallel_loop3A_290 = arith.constant 0 : i32
      %parallel_loop3A_291 = tpu.memref_slice %arg10[%parallel_loop3A_138, %parallel_loop3A_289, %parallel_loop3A_290] : memref<3x128x128xf32, #tpu.memory_space<vmem>> -> memref<1x128x128xf32, #tpu.memory_space<vmem>>
      %parallel_loop3A_292 = tpu.memref_squeeze %parallel_loop3A_291 : memref<1x128x128xf32, #tpu.memory_space<vmem>> -> memref<128x128xf32, #tpu.memory_space<vmem>>
      %parallel_loop3A_293 = arith.index_cast %parallel_loop3A_191 : i32 to index
      %parallel_loop3A_294 = arith.constant 96 : index
      %parallel_loop3A_295 = tpu.vector_load %parallel_loop3A_292[%parallel_loop3A_293, %parallel_loop3A_294] {strides = array<i32>} : memref<128x128xf32, #tpu.memory_space<vmem>>, vector<16xf32>,
      %parallel_loop3A_296 = arith.mulf %parallel_loop3A_288, %parallel_loop3A_295 : vector<16xf32>
      %parallel_loop3A_297 = arith.constant 0 : i32
      %parallel_loop3A_298 = arith.constant 0 : i32
      %parallel_loop3A_299 = tpu.memref_slice %arg9[%parallel_loop3A_137, %parallel_loop3A_297, %parallel_loop3A_298] : memref<3x128x128xf32, #tpu.memory_space<vmem>> -> memref<1x128x128xf32, #tpu.memory_space<vmem>>
      %parallel_loop3A_300 = tpu.memref_squeeze %parallel_loop3A_299 : memref<1x128x128xf32, #tpu.memory_space<vmem>> -> memref<128x128xf32, #tpu.memory_space<vmem>>
      %parallel_loop3A_301 = arith.index_cast %parallel_loop3A_191 : i32 to index
      %parallel_loop3A_302 = arith.constant 112 : index
      %parallel_loop3A_303 = tpu.vector_load %parallel_loop3A_300[%parallel_loop3A_301, %parallel_loop3A_302] {strides = array<i32>} : memref<128x128xf32, #tpu.memory_space<vmem>>, vector<16xf32>,
      %parallel_loop3A_304 = arith.constant 0 : i32
      %parallel_loop3A_305 = arith.constant 0 : i32
      %parallel_loop3A_306 = tpu.memref_slice %arg10[%parallel_loop3A_138, %parallel_loop3A_304, %parallel_loop3A_305] : memref<3x128x128xf32, #tpu.memory_space<vmem>> -> memref<1x128x128xf32, #tpu.memory_space<vmem>>
      %parallel_loop3A_307 = tpu.memref_squeeze %parallel_loop3A_306 : memref<1x128x128xf32, #tpu.memory_space<vmem>> -> memref<128x128xf32, #tpu.memory_space<vmem>>
      %parallel_loop3A_308 = arith.index_cast %parallel_loop3A_191 : i32 to index
      %parallel_loop3A_309 = arith.constant 112 : index
      %parallel_loop3A_310 = tpu.vector_load %parallel_loop3A_307[%parallel_loop3A_308, %parallel_loop3A_309] {strides = array<i32>} : memref<128x128xf32, #tpu.memory_space<vmem>>, vector<16xf32>,
      %parallel_loop3A_311 = arith.mulf %parallel_loop3A_303, %parallel_loop3A_310 : vector<16xf32>
      %parallel_loop3A_312 = arith.addf %parallel_loop3A_206, %parallel_loop3A_221 : vector<16xf32>
      %parallel_loop3A_313 = arith.addf %parallel_loop3A_236, %parallel_loop3A_251 : vector<16xf32>
      %parallel_loop3A_314 = arith.addf %parallel_loop3A_266, %parallel_loop3A_281 : vector<16xf32>
      %parallel_loop3A_315 = arith.addf %parallel_loop3A_296, %parallel_loop3A_311 : vector<16xf32>
      %parallel_loop3A_316 = arith.addf %parallel_loop3A_312, %parallel_loop3A_313 : vector<16xf32>
      %parallel_loop3A_317 = arith.addf %parallel_loop3A_314, %parallel_loop3A_315 : vector<16xf32>
      %parallel_loop3A_318 = arith.addf %parallel_loop3A_316, %parallel_loop3A_317 : vector<16xf32>
      %parallel_loop3A_319 = arith.constant true
      %parallel_loop3A_320 = vector.broadcast %parallel_loop3A_319 : i1 to vector<16xi1>
      %parallel_loop3A_321 = tpu.scan <sum>, %parallel_loop3A_318 masked %parallel_loop3A_320 : vector<16xf32>, vector<16xi1> -> vector<16xf32>
      %parallel_loop3A_322 = arith.constant 128 : i32
      %parallel_loop3A_323 = arith.addi %parallel_loop3A_322, %parallel_loop3A_191 : i32
      %parallel_loop3A_324 = arith.constant 15 : i32
      %parallel_loop3A_325 = vector.broadcast %parallel_loop3A_324 : i32 to vector<16xi32>
      %parallel_loop3A_326 = arith.cmpi eq, %iota3A_133, %parallel_loop3A_325 : vector<16xi32>
      %parallel_loop3A_327 = arith.index_cast %parallel_loop3A_323 : i32 to index
      %parallel_loop3A_328 = tpu.vector_load %arg11[%parallel_loop3A_327] masked %parallel_loop3A_326 {strides = array<i32>} : memref<520xf32, #tpu.memory_space<vmem>>, vector<16xf32>, vector<16xi1>
      tpu.vector_store %arg11[%parallel_loop3A_327], %parallel_loop3A_321 masked %parallel_loop3A_326 {strides = array<i32>} : memref<520xf32, #tpu.memory_space<vmem>>, vector<16xf32>, vector<16xi1>
    } {sc.loop_unroll_factor = 2 : i64, sc.parallel_access}
    %dma_wait3A_139 = arith.constant 2 : i32
    %dma_wait3A_140 = arith.constant 0 : i32
    %dma_wait3A_141 = arith.constant 0 : i32
    %dma_wait3A_142 = tpu.memref_slice %arg9[%dma_wait3A_139, %dma_wait3A_140, %dma_wait3A_141] : memref<3x128x128xf32, #tpu.memory_space<vmem>> -> memref<1x128x128xf32, #tpu.memory_space<vmem>>
    %dma_wait3A_143 = tpu.memref_squeeze %dma_wait3A_142 : memref<1x128x128xf32, #tpu.memory_space<vmem>> -> memref<128x128xf32, #tpu.memory_space<vmem>>
    %dma_wait3A_144 = arith.constant 256 : i32
    %dma_wait3A_145 = tpu.memref_slice %arg7[%dma_wait3A_144] : memref<512xi32, #tpu.memory_space<vmem>> -> memref<128xi32, #tpu.memory_space<vmem>>
    %dma_wait3A_146 = arith.constant 0 : i32
    %dma_wait3A_147 = arith.constant 0 : i32
    %dma_wait3A_148 = tpu.memref_slice %arg4[%dma_wait3A_146, %dma_wait3A_147] : memref<1000000x128xf32, #tpu.memory_space<hbm>> -> memref<1000000x128xf32, #tpu.memory_space<hbm>>
    tpu.wait_indirect_dma semaphore(%arg12 : memref<!tpu.dma_semaphore, #tpu.memory_space<semaphore_mem>>) src(%dma_wait3A_148 : memref<1000000x128xf32, #tpu.memory_space<hbm>>) dst(%dma_wait3A_143 : memref<128x128xf32, #tpu.memory_space<vmem>>)
    %dma_wait3A_149 = arith.constant 2 : i32
    %dma_wait3A_150 = arith.constant 0 : i32
    %dma_wait3A_151 = arith.constant 0 : i32
    %dma_wait3A_152 = tpu.memref_slice %arg10[%dma_wait3A_149, %dma_wait3A_150, %dma_wait3A_151] : memref<3x128x128xf32, #tpu.memory_space<vmem>> -> memref<1x128x128xf32, #tpu.memory_space<vmem>>
    %dma_wait3A_153 = tpu.memref_squeeze %dma_wait3A_152 : memref<1x128x128xf32, #tpu.memory_space<vmem>> -> memref<128x128xf32, #tpu.memory_space<vmem>>
    %dma_wait3A_154 = arith.constant 256 : i32
    %dma_wait3A_155 = tpu.memref_slice %arg8[%dma_wait3A_154] : memref<512xi32, #tpu.memory_space<vmem>> -> memref<128xi32, #tpu.memory_space<vmem>>
    %dma_wait3A_156 = arith.constant 0 : i32
    %dma_wait3A_157 = arith.constant 0 : i32
    %dma_wait3A_158 = tpu.memref_slice %arg5[%dma_wait3A_156, %dma_wait3A_157] : memref<100000x128xf32, #tpu.memory_space<hbm>> -> memref<100000x128xf32, #tpu.memory_space<hbm>>
    tpu.wait_indirect_dma semaphore(%arg13 : memref<!tpu.dma_semaphore, #tpu.memory_space<semaphore_mem>>) src(%dma_wait3A_158 : memref<100000x128xf32, #tpu.memory_space<hbm>>) dst(%dma_wait3A_153 : memref<128x128xf32, #tpu.memory_space<vmem>>)
    %iota3A_159 = tpu.iota {dimensions = array<i32: 0>} : vector<16xi32>
    %parallel_loop3A_160 = arith.constant 0 : i32
    %parallel_loop3A_161 = arith.constant 128 : i32
    %parallel_loop3A_162 = arith.constant 1 : i32
    %parallel_loop3A_163 = arith.constant 2 : i32
    %parallel_loop3A_164 = arith.constant 2 : i32
    scf.for %parallel_loop3A_191 = %parallel_loop3A_160 to %parallel_loop3A_161 step %parallel_loop3A_162  : i32 {
      %parallel_loop3A_192 = arith.constant 0 : i32
      %parallel_loop3A_193 = arith.constant 0 : i32
      %parallel_loop3A_194 = tpu.memref_slice %arg9[%parallel_loop3A_163, %parallel_loop3A_192, %parallel_loop3A_193] : memref<3x128x128xf32, #tpu.memory_space<vmem>> -> memref<1x128x128xf32, #tpu.memory_space<vmem>>
      %parallel_loop3A_195 = tpu.memref_squeeze %parallel_loop3A_194 : memref<1x128x128xf32, #tpu.memory_space<vmem>> -> memref<128x128xf32, #tpu.memory_space<vmem>>
      %parallel_loop3A_196 = arith.index_cast %parallel_loop3A_191 : i32 to index
      %parallel_loop3A_197 = arith.constant 0 : index
      %parallel_loop3A_198 = tpu.vector_load %parallel_loop3A_195[%parallel_loop3A_196, %parallel_loop3A_197] {strides = array<i32>} : memref<128x128xf32, #tpu.memory_space<vmem>>, vector<16xf32>,
      %parallel_loop3A_199 = arith.constant 0 : i32
      %parallel_loop3A_200 = arith.constant 0 : i32
      %parallel_loop3A_201 = tpu.memref_slice %arg10[%parallel_loop3A_164, %parallel_loop3A_199, %parallel_loop3A_200] : memref<3x128x128xf32, #tpu.memory_space<vmem>> -> memref<1x128x128xf32, #tpu.memory_space<vmem>>
      %parallel_loop3A_202 = tpu.memref_squeeze %parallel_loop3A_201 : memref<1x128x128xf32, #tpu.memory_space<vmem>> -> memref<128x128xf32, #tpu.memory_space<vmem>>
      %parallel_loop3A_203 = arith.index_cast %parallel_loop3A_191 : i32 to index
      %parallel_loop3A_204 = arith.constant 0 : index
      %parallel_loop3A_205 = tpu.vector_load %parallel_loop3A_202[%parallel_loop3A_203, %parallel_loop3A_204] {strides = array<i32>} : memref<128x128xf32, #tpu.memory_space<vmem>>, vector<16xf32>,
      %parallel_loop3A_206 = arith.mulf %parallel_loop3A_198, %parallel_loop3A_205 : vector<16xf32>
      %parallel_loop3A_207 = arith.constant 0 : i32
      %parallel_loop3A_208 = arith.constant 0 : i32
      %parallel_loop3A_209 = tpu.memref_slice %arg9[%parallel_loop3A_163, %parallel_loop3A_207, %parallel_loop3A_208] : memref<3x128x128xf32, #tpu.memory_space<vmem>> -> memref<1x128x128xf32, #tpu.memory_space<vmem>>
      %parallel_loop3A_210 = tpu.memref_squeeze %parallel_loop3A_209 : memref<1x128x128xf32, #tpu.memory_space<vmem>> -> memref<128x128xf32, #tpu.memory_space<vmem>>
      %parallel_loop3A_211 = arith.index_cast %parallel_loop3A_191 : i32 to index
      %parallel_loop3A_212 = arith.constant 16 : index
      %parallel_loop3A_213 = tpu.vector_load %parallel_loop3A_210[%parallel_loop3A_211, %parallel_loop3A_212] {strides = array<i32>} : memref<128x128xf32, #tpu.memory_space<vmem>>, vector<16xf32>,
      %parallel_loop3A_214 = arith.constant 0 : i32
      %parallel_loop3A_215 = arith.constant 0 : i32
      %parallel_loop3A_216 = tpu.memref_slice %arg10[%parallel_loop3A_164, %parallel_loop3A_214, %parallel_loop3A_215] : memref<3x128x128xf32, #tpu.memory_space<vmem>> -> memref<1x128x128xf32, #tpu.memory_space<vmem>>
      %parallel_loop3A_217 = tpu.memref_squeeze %parallel_loop3A_216 : memref<1x128x128xf32, #tpu.memory_space<vmem>> -> memref<128x128xf32, #tpu.memory_space<vmem>>
      %parallel_loop3A_218 = arith.index_cast %parallel_loop3A_191 : i32 to index
      %parallel_loop3A_219 = arith.constant 16 : index
      %parallel_loop3A_220 = tpu.vector_load %parallel_loop3A_217[%parallel_loop3A_218, %parallel_loop3A_219] {strides = array<i32>} : memref<128x128xf32, #tpu.memory_space<vmem>>, vector<16xf32>,
      %parallel_loop3A_221 = arith.mulf %parallel_loop3A_213, %parallel_loop3A_220 : vector<16xf32>
      %parallel_loop3A_222 = arith.constant 0 : i32
      %parallel_loop3A_223 = arith.constant 0 : i32
      %parallel_loop3A_224 = tpu.memref_slice %arg9[%parallel_loop3A_163, %parallel_loop3A_222, %parallel_loop3A_223] : memref<3x128x128xf32, #tpu.memory_space<vmem>> -> memref<1x128x128xf32, #tpu.memory_space<vmem>>
      %parallel_loop3A_225 = tpu.memref_squeeze %parallel_loop3A_224 : memref<1x128x128xf32, #tpu.memory_space<vmem>> -> memref<128x128xf32, #tpu.memory_space<vmem>>
      %parallel_loop3A_226 = arith.index_cast %parallel_loop3A_191 : i32 to index
      %parallel_loop3A_227 = arith.constant 32 : index
      %parallel_loop3A_228 = tpu.vector_load %parallel_loop3A_225[%parallel_loop3A_226, %parallel_loop3A_227] {strides = array<i32>} : memref<128x128xf32, #tpu.memory_space<vmem>>, vector<16xf32>,
      %parallel_loop3A_229 = arith.constant 0 : i32
      %parallel_loop3A_230 = arith.constant 0 : i32
      %parallel_loop3A_231 = tpu.memref_slice %arg10[%parallel_loop3A_164, %parallel_loop3A_229, %parallel_loop3A_230] : memref<3x128x128xf32, #tpu.memory_space<vmem>> -> memref<1x128x128xf32, #tpu.memory_space<vmem>>
      %parallel_loop3A_232 = tpu.memref_squeeze %parallel_loop3A_231 : memref<1x128x128xf32, #tpu.memory_space<vmem>> -> memref<128x128xf32, #tpu.memory_space<vmem>>
      %parallel_loop3A_233 = arith.index_cast %parallel_loop3A_191 : i32 to index
      %parallel_loop3A_234 = arith.constant 32 : index
      %parallel_loop3A_235 = tpu.vector_load %parallel_loop3A_232[%parallel_loop3A_233, %parallel_loop3A_234] {strides = array<i32>} : memref<128x128xf32, #tpu.memory_space<vmem>>, vector<16xf32>,
      %parallel_loop3A_236 = arith.mulf %parallel_loop3A_228, %parallel_loop3A_235 : vector<16xf32>
      %parallel_loop3A_237 = arith.constant 0 : i32
      %parallel_loop3A_238 = arith.constant 0 : i32
      %parallel_loop3A_239 = tpu.memref_slice %arg9[%parallel_loop3A_163, %parallel_loop3A_237, %parallel_loop3A_238] : memref<3x128x128xf32, #tpu.memory_space<vmem>> -> memref<1x128x128xf32, #tpu.memory_space<vmem>>
      %parallel_loop3A_240 = tpu.memref_squeeze %parallel_loop3A_239 : memref<1x128x128xf32, #tpu.memory_space<vmem>> -> memref<128x128xf32, #tpu.memory_space<vmem>>
      %parallel_loop3A_241 = arith.index_cast %parallel_loop3A_191 : i32 to index
      %parallel_loop3A_242 = arith.constant 48 : index
      %parallel_loop3A_243 = tpu.vector_load %parallel_loop3A_240[%parallel_loop3A_241, %parallel_loop3A_242] {strides = array<i32>} : memref<128x128xf32, #tpu.memory_space<vmem>>, vector<16xf32>,
      %parallel_loop3A_244 = arith.constant 0 : i32
      %parallel_loop3A_245 = arith.constant 0 : i32
      %parallel_loop3A_246 = tpu.memref_slice %arg10[%parallel_loop3A_164, %parallel_loop3A_244, %parallel_loop3A_245] : memref<3x128x128xf32, #tpu.memory_space<vmem>> -> memref<1x128x128xf32, #tpu.memory_space<vmem>>
      %parallel_loop3A_247 = tpu.memref_squeeze %parallel_loop3A_246 : memref<1x128x128xf32, #tpu.memory_space<vmem>> -> memref<128x128xf32, #tpu.memory_space<vmem>>
      %parallel_loop3A_248 = arith.index_cast %parallel_loop3A_191 : i32 to index
      %parallel_loop3A_249 = arith.constant 48 : index
      %parallel_loop3A_250 = tpu.vector_load %parallel_loop3A_247[%parallel_loop3A_248, %parallel_loop3A_249] {strides = array<i32>} : memref<128x128xf32, #tpu.memory_space<vmem>>, vector<16xf32>,
      %parallel_loop3A_251 = arith.mulf %parallel_loop3A_243, %parallel_loop3A_250 : vector<16xf32>
      %parallel_loop3A_252 = arith.constant 0 : i32
      %parallel_loop3A_253 = arith.constant 0 : i32
      %parallel_loop3A_254 = tpu.memref_slice %arg9[%parallel_loop3A_163, %parallel_loop3A_252, %parallel_loop3A_253] : memref<3x128x128xf32, #tpu.memory_space<vmem>> -> memref<1x128x128xf32, #tpu.memory_space<vmem>>
      %parallel_loop3A_255 = tpu.memref_squeeze %parallel_loop3A_254 : memref<1x128x128xf32, #tpu.memory_space<vmem>> -> memref<128x128xf32, #tpu.memory_space<vmem>>
      %parallel_loop3A_256 = arith.index_cast %parallel_loop3A_191 : i32 to index
      %parallel_loop3A_257 = arith.constant 64 : index
      %parallel_loop3A_258 = tpu.vector_load %parallel_loop3A_255[%parallel_loop3A_256, %parallel_loop3A_257] {strides = array<i32>} : memref<128x128xf32, #tpu.memory_space<vmem>>, vector<16xf32>,
      %parallel_loop3A_259 = arith.constant 0 : i32
      %parallel_loop3A_260 = arith.constant 0 : i32
      %parallel_loop3A_261 = tpu.memref_slice %arg10[%parallel_loop3A_164, %parallel_loop3A_259, %parallel_loop3A_260] : memref<3x128x128xf32, #tpu.memory_space<vmem>> -> memref<1x128x128xf32, #tpu.memory_space<vmem>>
      %parallel_loop3A_262 = tpu.memref_squeeze %parallel_loop3A_261 : memref<1x128x128xf32, #tpu.memory_space<vmem>> -> memref<128x128xf32, #tpu.memory_space<vmem>>
      %parallel_loop3A_263 = arith.index_cast %parallel_loop3A_191 : i32 to index
      %parallel_loop3A_264 = arith.constant 64 : index
      %parallel_loop3A_265 = tpu.vector_load %parallel_loop3A_262[%parallel_loop3A_263, %parallel_loop3A_264] {strides = array<i32>} : memref<128x128xf32, #tpu.memory_space<vmem>>, vector<16xf32>,
      %parallel_loop3A_266 = arith.mulf %parallel_loop3A_258, %parallel_loop3A_265 : vector<16xf32>
      %parallel_loop3A_267 = arith.constant 0 : i32
      %parallel_loop3A_268 = arith.constant 0 : i32
      %parallel_loop3A_269 = tpu.memref_slice %arg9[%parallel_loop3A_163, %parallel_loop3A_267, %parallel_loop3A_268] : memref<3x128x128xf32, #tpu.memory_space<vmem>> -> memref<1x128x128xf32, #tpu.memory_space<vmem>>
      %parallel_loop3A_270 = tpu.memref_squeeze %parallel_loop3A_269 : memref<1x128x128xf32, #tpu.memory_space<vmem>> -> memref<128x128xf32, #tpu.memory_space<vmem>>
      %parallel_loop3A_271 = arith.index_cast %parallel_loop3A_191 : i32 to index
      %parallel_loop3A_272 = arith.constant 80 : index
      %parallel_loop3A_273 = tpu.vector_load %parallel_loop3A_270[%parallel_loop3A_271, %parallel_loop3A_272] {strides = array<i32>} : memref<128x128xf32, #tpu.memory_space<vmem>>, vector<16xf32>,
      %parallel_loop3A_274 = arith.constant 0 : i32
      %parallel_loop3A_275 = arith.constant 0 : i32
      %parallel_loop3A_276 = tpu.memref_slice %arg10[%parallel_loop3A_164, %parallel_loop3A_274, %parallel_loop3A_275] : memref<3x128x128xf32, #tpu.memory_space<vmem>> -> memref<1x128x128xf32, #tpu.memory_space<vmem>>
      %parallel_loop3A_277 = tpu.memref_squeeze %parallel_loop3A_276 : memref<1x128x128xf32, #tpu.memory_space<vmem>> -> memref<128x128xf32, #tpu.memory_space<vmem>>
      %parallel_loop3A_278 = arith.index_cast %parallel_loop3A_191 : i32 to index
      %parallel_loop3A_279 = arith.constant 80 : index
      %parallel_loop3A_280 = tpu.vector_load %parallel_loop3A_277[%parallel_loop3A_278, %parallel_loop3A_279] {strides = array<i32>} : memref<128x128xf32, #tpu.memory_space<vmem>>, vector<16xf32>,
      %parallel_loop3A_281 = arith.mulf %parallel_loop3A_273, %parallel_loop3A_280 : vector<16xf32>
      %parallel_loop3A_282 = arith.constant 0 : i32
      %parallel_loop3A_283 = arith.constant 0 : i32
      %parallel_loop3A_284 = tpu.memref_slice %arg9[%parallel_loop3A_163, %parallel_loop3A_282, %parallel_loop3A_283] : memref<3x128x128xf32, #tpu.memory_space<vmem>> -> memref<1x128x128xf32, #tpu.memory_space<vmem>>
      %parallel_loop3A_285 = tpu.memref_squeeze %parallel_loop3A_284 : memref<1x128x128xf32, #tpu.memory_space<vmem>> -> memref<128x128xf32, #tpu.memory_space<vmem>>
      %parallel_loop3A_286 = arith.index_cast %parallel_loop3A_191 : i32 to index
      %parallel_loop3A_287 = arith.constant 96 : index
      %parallel_loop3A_288 = tpu.vector_load %parallel_loop3A_285[%parallel_loop3A_286, %parallel_loop3A_287] {strides = array<i32>} : memref<128x128xf32, #tpu.memory_space<vmem>>, vector<16xf32>,
      %parallel_loop3A_289 = arith.constant 0 : i32
      %parallel_loop3A_290 = arith.constant 0 : i32
      %parallel_loop3A_291 = tpu.memref_slice %arg10[%parallel_loop3A_164, %parallel_loop3A_289, %parallel_loop3A_290] : memref<3x128x128xf32, #tpu.memory_space<vmem>> -> memref<1x128x128xf32, #tpu.memory_space<vmem>>
      %parallel_loop3A_292 = tpu.memref_squeeze %parallel_loop3A_291 : memref<1x128x128xf32, #tpu.memory_space<vmem>> -> memref<128x128xf32, #tpu.memory_space<vmem>>
      %parallel_loop3A_293 = arith.index_cast %parallel_loop3A_191 : i32 to index
      %parallel_loop3A_294 = arith.constant 96 : index
      %parallel_loop3A_295 = tpu.vector_load %parallel_loop3A_292[%parallel_loop3A_293, %parallel_loop3A_294] {strides = array<i32>} : memref<128x128xf32, #tpu.memory_space<vmem>>, vector<16xf32>,
      %parallel_loop3A_296 = arith.mulf %parallel_loop3A_288, %parallel_loop3A_295 : vector<16xf32>
      %parallel_loop3A_297 = arith.constant 0 : i32
      %parallel_loop3A_298 = arith.constant 0 : i32
      %parallel_loop3A_299 = tpu.memref_slice %arg9[%parallel_loop3A_163, %parallel_loop3A_297, %parallel_loop3A_298] : memref<3x128x128xf32, #tpu.memory_space<vmem>> -> memref<1x128x128xf32, #tpu.memory_space<vmem>>
      %parallel_loop3A_300 = tpu.memref_squeeze %parallel_loop3A_299 : memref<1x128x128xf32, #tpu.memory_space<vmem>> -> memref<128x128xf32, #tpu.memory_space<vmem>>
      %parallel_loop3A_301 = arith.index_cast %parallel_loop3A_191 : i32 to index
      %parallel_loop3A_302 = arith.constant 112 : index
      %parallel_loop3A_303 = tpu.vector_load %parallel_loop3A_300[%parallel_loop3A_301, %parallel_loop3A_302] {strides = array<i32>} : memref<128x128xf32, #tpu.memory_space<vmem>>, vector<16xf32>,
      %parallel_loop3A_304 = arith.constant 0 : i32
      %parallel_loop3A_305 = arith.constant 0 : i32
      %parallel_loop3A_306 = tpu.memref_slice %arg10[%parallel_loop3A_164, %parallel_loop3A_304, %parallel_loop3A_305] : memref<3x128x128xf32, #tpu.memory_space<vmem>> -> memref<1x128x128xf32, #tpu.memory_space<vmem>>
      %parallel_loop3A_307 = tpu.memref_squeeze %parallel_loop3A_306 : memref<1x128x128xf32, #tpu.memory_space<vmem>> -> memref<128x128xf32, #tpu.memory_space<vmem>>
      %parallel_loop3A_308 = arith.index_cast %parallel_loop3A_191 : i32 to index
      %parallel_loop3A_309 = arith.constant 112 : index
      %parallel_loop3A_310 = tpu.vector_load %parallel_loop3A_307[%parallel_loop3A_308, %parallel_loop3A_309] {strides = array<i32>} : memref<128x128xf32, #tpu.memory_space<vmem>>, vector<16xf32>,
      %parallel_loop3A_311 = arith.mulf %parallel_loop3A_303, %parallel_loop3A_310 : vector<16xf32>
      %parallel_loop3A_312 = arith.addf %parallel_loop3A_206, %parallel_loop3A_221 : vector<16xf32>
      %parallel_loop3A_313 = arith.addf %parallel_loop3A_236, %parallel_loop3A_251 : vector<16xf32>
      %parallel_loop3A_314 = arith.addf %parallel_loop3A_266, %parallel_loop3A_281 : vector<16xf32>
      %parallel_loop3A_315 = arith.addf %parallel_loop3A_296, %parallel_loop3A_311 : vector<16xf32>
      %parallel_loop3A_316 = arith.addf %parallel_loop3A_312, %parallel_loop3A_313 : vector<16xf32>
      %parallel_loop3A_317 = arith.addf %parallel_loop3A_314, %parallel_loop3A_315 : vector<16xf32>
      %parallel_loop3A_318 = arith.addf %parallel_loop3A_316, %parallel_loop3A_317 : vector<16xf32>
      %parallel_loop3A_319 = arith.constant true
      %parallel_loop3A_320 = vector.broadcast %parallel_loop3A_319 : i1 to vector<16xi1>
      %parallel_loop3A_321 = tpu.scan <sum>, %parallel_loop3A_318 masked %parallel_loop3A_320 : vector<16xf32>, vector<16xi1> -> vector<16xf32>
      %parallel_loop3A_322 = arith.constant 256 : i32
      %parallel_loop3A_323 = arith.addi %parallel_loop3A_322, %parallel_loop3A_191 : i32
      %parallel_loop3A_324 = arith.constant 15 : i32
      %parallel_loop3A_325 = vector.broadcast %parallel_loop3A_324 : i32 to vector<16xi32>
      %parallel_loop3A_326 = arith.cmpi eq, %iota3A_159, %parallel_loop3A_325 : vector<16xi32>
      %parallel_loop3A_327 = arith.index_cast %parallel_loop3A_323 : i32 to index
      %parallel_loop3A_328 = tpu.vector_load %arg11[%parallel_loop3A_327] masked %parallel_loop3A_326 {strides = array<i32>} : memref<520xf32, #tpu.memory_space<vmem>>, vector<16xf32>, vector<16xi1>
      tpu.vector_store %arg11[%parallel_loop3A_327], %parallel_loop3A_321 masked %parallel_loop3A_326 {strides = array<i32>} : memref<520xf32, #tpu.memory_space<vmem>>, vector<16xf32>, vector<16xi1>
    } {sc.loop_unroll_factor = 2 : i64, sc.parallel_access}
    %dma_wait3A_165 = arith.constant 0 : i32
    %dma_wait3A_166 = arith.constant 0 : i32
    %dma_wait3A_167 = arith.constant 0 : i32
    %dma_wait3A_168 = tpu.memref_slice %arg9[%dma_wait3A_165, %dma_wait3A_166, %dma_wait3A_167] : memref<3x128x128xf32, #tpu.memory_space<vmem>> -> memref<1x128x128xf32, #tpu.memory_space<vmem>>
    %dma_wait3A_169 = tpu.memref_squeeze %dma_wait3A_168 : memref<1x128x128xf32, #tpu.memory_space<vmem>> -> memref<128x128xf32, #tpu.memory_space<vmem>>
    %dma_wait3A_170 = arith.constant 384 : i32
    %dma_wait3A_171 = tpu.memref_slice %arg7[%dma_wait3A_170] : memref<512xi32, #tpu.memory_space<vmem>> -> memref<128xi32, #tpu.memory_space<vmem>>
    %dma_wait3A_172 = arith.constant 0 : i32
    %dma_wait3A_173 = arith.constant 0 : i32
    %dma_wait3A_174 = tpu.memref_slice %arg4[%dma_wait3A_172, %dma_wait3A_173] : memref<1000000x128xf32, #tpu.memory_space<hbm>> -> memref<1000000x128xf32, #tpu.memory_space<hbm>>
    tpu.wait_indirect_dma semaphore(%arg12 : memref<!tpu.dma_semaphore, #tpu.memory_space<semaphore_mem>>) src(%dma_wait3A_174 : memref<1000000x128xf32, #tpu.memory_space<hbm>>) dst(%dma_wait3A_169 : memref<128x128xf32, #tpu.memory_space<vmem>>)
    %dma_wait3A_175 = arith.constant 0 : i32
    %dma_wait3A_176 = arith.constant 0 : i32
    %dma_wait3A_177 = arith.constant 0 : i32
    %dma_wait3A_178 = tpu.memref_slice %arg10[%dma_wait3A_175, %dma_wait3A_176, %dma_wait3A_177] : memref<3x128x128xf32, #tpu.memory_space<vmem>> -> memref<1x128x128xf32, #tpu.memory_space<vmem>>
    %dma_wait3A_179 = tpu.memref_squeeze %dma_wait3A_178 : memref<1x128x128xf32, #tpu.memory_space<vmem>> -> memref<128x128xf32, #tpu.memory_space<vmem>>
    %dma_wait3A_180 = arith.constant 384 : i32
    %dma_wait3A_181 = tpu.memref_slice %arg8[%dma_wait3A_180] : memref<512xi32, #tpu.memory_space<vmem>> -> memref<128xi32, #tpu.memory_space<vmem>>
    %dma_wait3A_182 = arith.constant 0 : i32
    %dma_wait3A_183 = arith.constant 0 : i32
    %dma_wait3A_184 = tpu.memref_slice %arg5[%dma_wait3A_182, %dma_wait3A_183] : memref<100000x128xf32, #tpu.memory_space<hbm>> -> memref<100000x128xf32, #tpu.memory_space<hbm>>
    tpu.wait_indirect_dma semaphore(%arg13 : memref<!tpu.dma_semaphore, #tpu.memory_space<semaphore_mem>>) src(%dma_wait3A_184 : memref<100000x128xf32, #tpu.memory_space<hbm>>) dst(%dma_wait3A_179 : memref<128x128xf32, #tpu.memory_space<vmem>>)
    %iota3A_185 = tpu.iota {dimensions = array<i32: 0>} : vector<16xi32>
    %parallel_loop3A_186 = arith.constant 0 : i32
    %parallel_loop3A_187 = arith.constant 128 : i32
    %parallel_loop3A_188 = arith.constant 1 : i32
    %parallel_loop3A_189 = arith.constant 0 : i32
    %parallel_loop3A_190 = arith.constant 0 : i32
    scf.for %parallel_loop3A_191 = %parallel_loop3A_186 to %parallel_loop3A_187 step %parallel_loop3A_188  : i32 {
      %parallel_loop3A_192 = arith.constant 0 : i32
      %parallel_loop3A_193 = arith.constant 0 : i32
      %parallel_loop3A_194 = tpu.memref_slice %arg9[%parallel_loop3A_189, %parallel_loop3A_192, %parallel_loop3A_193] : memref<3x128x128xf32, #tpu.memory_space<vmem>> -> memref<1x128x128xf32, #tpu.memory_space<vmem>>
      %parallel_loop3A_195 = tpu.memref_squeeze %parallel_loop3A_194 : memref<1x128x128xf32, #tpu.memory_space<vmem>> -> memref<128x128xf32, #tpu.memory_space<vmem>>
      %parallel_loop3A_196 = arith.index_cast %parallel_loop3A_191 : i32 to index
      %parallel_loop3A_197 = arith.constant 0 : index
      %parallel_loop3A_198 = tpu.vector_load %parallel_loop3A_195[%parallel_loop3A_196, %parallel_loop3A_197] {strides = array<i32>} : memref<128x128xf32, #tpu.memory_space<vmem>>, vector<16xf32>,
      %parallel_loop3A_199 = arith.constant 0 : i32
      %parallel_loop3A_200 = arith.constant 0 : i32
      %parallel_loop3A_201 = tpu.memref_slice %arg10[%parallel_loop3A_190, %parallel_loop3A_199, %parallel_loop3A_200] : memref<3x128x128xf32, #tpu.memory_space<vmem>> -> memref<1x128x128xf32, #tpu.memory_space<vmem>>
      %parallel_loop3A_202 = tpu.memref_squeeze %parallel_loop3A_201 : memref<1x128x128xf32, #tpu.memory_space<vmem>> -> memref<128x128xf32, #tpu.memory_space<vmem>>
      %parallel_loop3A_203 = arith.index_cast %parallel_loop3A_191 : i32 to index
      %parallel_loop3A_204 = arith.constant 0 : index
      %parallel_loop3A_205 = tpu.vector_load %parallel_loop3A_202[%parallel_loop3A_203, %parallel_loop3A_204] {strides = array<i32>} : memref<128x128xf32, #tpu.memory_space<vmem>>, vector<16xf32>,
      %parallel_loop3A_206 = arith.mulf %parallel_loop3A_198, %parallel_loop3A_205 : vector<16xf32>
      %parallel_loop3A_207 = arith.constant 0 : i32
      %parallel_loop3A_208 = arith.constant 0 : i32
      %parallel_loop3A_209 = tpu.memref_slice %arg9[%parallel_loop3A_189, %parallel_loop3A_207, %parallel_loop3A_208] : memref<3x128x128xf32, #tpu.memory_space<vmem>> -> memref<1x128x128xf32, #tpu.memory_space<vmem>>
      %parallel_loop3A_210 = tpu.memref_squeeze %parallel_loop3A_209 : memref<1x128x128xf32, #tpu.memory_space<vmem>> -> memref<128x128xf32, #tpu.memory_space<vmem>>
      %parallel_loop3A_211 = arith.index_cast %parallel_loop3A_191 : i32 to index
      %parallel_loop3A_212 = arith.constant 16 : index
      %parallel_loop3A_213 = tpu.vector_load %parallel_loop3A_210[%parallel_loop3A_211, %parallel_loop3A_212] {strides = array<i32>} : memref<128x128xf32, #tpu.memory_space<vmem>>, vector<16xf32>,
      %parallel_loop3A_214 = arith.constant 0 : i32
      %parallel_loop3A_215 = arith.constant 0 : i32
      %parallel_loop3A_216 = tpu.memref_slice %arg10[%parallel_loop3A_190, %parallel_loop3A_214, %parallel_loop3A_215] : memref<3x128x128xf32, #tpu.memory_space<vmem>> -> memref<1x128x128xf32, #tpu.memory_space<vmem>>
      %parallel_loop3A_217 = tpu.memref_squeeze %parallel_loop3A_216 : memref<1x128x128xf32, #tpu.memory_space<vmem>> -> memref<128x128xf32, #tpu.memory_space<vmem>>
      %parallel_loop3A_218 = arith.index_cast %parallel_loop3A_191 : i32 to index
      %parallel_loop3A_219 = arith.constant 16 : index
      %parallel_loop3A_220 = tpu.vector_load %parallel_loop3A_217[%parallel_loop3A_218, %parallel_loop3A_219] {strides = array<i32>} : memref<128x128xf32, #tpu.memory_space<vmem>>, vector<16xf32>,
      %parallel_loop3A_221 = arith.mulf %parallel_loop3A_213, %parallel_loop3A_220 : vector<16xf32>
      %parallel_loop3A_222 = arith.constant 0 : i32
      %parallel_loop3A_223 = arith.constant 0 : i32
      %parallel_loop3A_224 = tpu.memref_slice %arg9[%parallel_loop3A_189, %parallel_loop3A_222, %parallel_loop3A_223] : memref<3x128x128xf32, #tpu.memory_space<vmem>> -> memref<1x128x128xf32, #tpu.memory_space<vmem>>
      %parallel_loop3A_225 = tpu.memref_squeeze %parallel_loop3A_224 : memref<1x128x128xf32, #tpu.memory_space<vmem>> -> memref<128x128xf32, #tpu.memory_space<vmem>>
      %parallel_loop3A_226 = arith.index_cast %parallel_loop3A_191 : i32 to index
      %parallel_loop3A_227 = arith.constant 32 : index
      %parallel_loop3A_228 = tpu.vector_load %parallel_loop3A_225[%parallel_loop3A_226, %parallel_loop3A_227] {strides = array<i32>} : memref<128x128xf32, #tpu.memory_space<vmem>>, vector<16xf32>,
      %parallel_loop3A_229 = arith.constant 0 : i32
      %parallel_loop3A_230 = arith.constant 0 : i32
      %parallel_loop3A_231 = tpu.memref_slice %arg10[%parallel_loop3A_190, %parallel_loop3A_229, %parallel_loop3A_230] : memref<3x128x128xf32, #tpu.memory_space<vmem>> -> memref<1x128x128xf32, #tpu.memory_space<vmem>>
      %parallel_loop3A_232 = tpu.memref_squeeze %parallel_loop3A_231 : memref<1x128x128xf32, #tpu.memory_space<vmem>> -> memref<128x128xf32, #tpu.memory_space<vmem>>
      %parallel_loop3A_233 = arith.index_cast %parallel_loop3A_191 : i32 to index
      %parallel_loop3A_234 = arith.constant 32 : index
      %parallel_loop3A_235 = tpu.vector_load %parallel_loop3A_232[%parallel_loop3A_233, %parallel_loop3A_234] {strides = array<i32>} : memref<128x128xf32, #tpu.memory_space<vmem>>, vector<16xf32>,
      %parallel_loop3A_236 = arith.mulf %parallel_loop3A_228, %parallel_loop3A_235 : vector<16xf32>
      %parallel_loop3A_237 = arith.constant 0 : i32
      %parallel_loop3A_238 = arith.constant 0 : i32
      %parallel_loop3A_239 = tpu.memref_slice %arg9[%parallel_loop3A_189, %parallel_loop3A_237, %parallel_loop3A_238] : memref<3x128x128xf32, #tpu.memory_space<vmem>> -> memref<1x128x128xf32, #tpu.memory_space<vmem>>
      %parallel_loop3A_240 = tpu.memref_squeeze %parallel_loop3A_239 : memref<1x128x128xf32, #tpu.memory_space<vmem>> -> memref<128x128xf32, #tpu.memory_space<vmem>>
      %parallel_loop3A_241 = arith.index_cast %parallel_loop3A_191 : i32 to index
      %parallel_loop3A_242 = arith.constant 48 : index
      %parallel_loop3A_243 = tpu.vector_load %parallel_loop3A_240[%parallel_loop3A_241, %parallel_loop3A_242] {strides = array<i32>} : memref<128x128xf32, #tpu.memory_space<vmem>>, vector<16xf32>,
      %parallel_loop3A_244 = arith.constant 0 : i32
      %parallel_loop3A_245 = arith.constant 0 : i32
      %parallel_loop3A_246 = tpu.memref_slice %arg10[%parallel_loop3A_190, %parallel_loop3A_244, %parallel_loop3A_245] : memref<3x128x128xf32, #tpu.memory_space<vmem>> -> memref<1x128x128xf32, #tpu.memory_space<vmem>>
      %parallel_loop3A_247 = tpu.memref_squeeze %parallel_loop3A_246 : memref<1x128x128xf32, #tpu.memory_space<vmem>> -> memref<128x128xf32, #tpu.memory_space<vmem>>
      %parallel_loop3A_248 = arith.index_cast %parallel_loop3A_191 : i32 to index
      %parallel_loop3A_249 = arith.constant 48 : index
      %parallel_loop3A_250 = tpu.vector_load %parallel_loop3A_247[%parallel_loop3A_248, %parallel_loop3A_249] {strides = array<i32>} : memref<128x128xf32, #tpu.memory_space<vmem>>, vector<16xf32>,
      %parallel_loop3A_251 = arith.mulf %parallel_loop3A_243, %parallel_loop3A_250 : vector<16xf32>
      %parallel_loop3A_252 = arith.constant 0 : i32
      %parallel_loop3A_253 = arith.constant 0 : i32
      %parallel_loop3A_254 = tpu.memref_slice %arg9[%parallel_loop3A_189, %parallel_loop3A_252, %parallel_loop3A_253] : memref<3x128x128xf32, #tpu.memory_space<vmem>> -> memref<1x128x128xf32, #tpu.memory_space<vmem>>
      %parallel_loop3A_255 = tpu.memref_squeeze %parallel_loop3A_254 : memref<1x128x128xf32, #tpu.memory_space<vmem>> -> memref<128x128xf32, #tpu.memory_space<vmem>>
      %parallel_loop3A_256 = arith.index_cast %parallel_loop3A_191 : i32 to index
      %parallel_loop3A_257 = arith.constant 64 : index
      %parallel_loop3A_258 = tpu.vector_load %parallel_loop3A_255[%parallel_loop3A_256, %parallel_loop3A_257] {strides = array<i32>} : memref<128x128xf32, #tpu.memory_space<vmem>>, vector<16xf32>,
      %parallel_loop3A_259 = arith.constant 0 : i32
      %parallel_loop3A_260 = arith.constant 0 : i32
      %parallel_loop3A_261 = tpu.memref_slice %arg10[%parallel_loop3A_190, %parallel_loop3A_259, %parallel_loop3A_260] : memref<3x128x128xf32, #tpu.memory_space<vmem>> -> memref<1x128x128xf32, #tpu.memory_space<vmem>>
      %parallel_loop3A_262 = tpu.memref_squeeze %parallel_loop3A_261 : memref<1x128x128xf32, #tpu.memory_space<vmem>> -> memref<128x128xf32, #tpu.memory_space<vmem>>
      %parallel_loop3A_263 = arith.index_cast %parallel_loop3A_191 : i32 to index
      %parallel_loop3A_264 = arith.constant 64 : index
      %parallel_loop3A_265 = tpu.vector_load %parallel_loop3A_262[%parallel_loop3A_263, %parallel_loop3A_264] {strides = array<i32>} : memref<128x128xf32, #tpu.memory_space<vmem>>, vector<16xf32>,
      %parallel_loop3A_266 = arith.mulf %parallel_loop3A_258, %parallel_loop3A_265 : vector<16xf32>
      %parallel_loop3A_267 = arith.constant 0 : i32
      %parallel_loop3A_268 = arith.constant 0 : i32
      %parallel_loop3A_269 = tpu.memref_slice %arg9[%parallel_loop3A_189, %parallel_loop3A_267, %parallel_loop3A_268] : memref<3x128x128xf32, #tpu.memory_space<vmem>> -> memref<1x128x128xf32, #tpu.memory_space<vmem>>
      %parallel_loop3A_270 = tpu.memref_squeeze %parallel_loop3A_269 : memref<1x128x128xf32, #tpu.memory_space<vmem>> -> memref<128x128xf32, #tpu.memory_space<vmem>>
      %parallel_loop3A_271 = arith.index_cast %parallel_loop3A_191 : i32 to index
      %parallel_loop3A_272 = arith.constant 80 : index
      %parallel_loop3A_273 = tpu.vector_load %parallel_loop3A_270[%parallel_loop3A_271, %parallel_loop3A_272] {strides = array<i32>} : memref<128x128xf32, #tpu.memory_space<vmem>>, vector<16xf32>,
      %parallel_loop3A_274 = arith.constant 0 : i32
      %parallel_loop3A_275 = arith.constant 0 : i32
      %parallel_loop3A_276 = tpu.memref_slice %arg10[%parallel_loop3A_190, %parallel_loop3A_274, %parallel_loop3A_275] : memref<3x128x128xf32, #tpu.memory_space<vmem>> -> memref<1x128x128xf32, #tpu.memory_space<vmem>>
      %parallel_loop3A_277 = tpu.memref_squeeze %parallel_loop3A_276 : memref<1x128x128xf32, #tpu.memory_space<vmem>> -> memref<128x128xf32, #tpu.memory_space<vmem>>
      %parallel_loop3A_278 = arith.index_cast %parallel_loop3A_191 : i32 to index
      %parallel_loop3A_279 = arith.constant 80 : index
      %parallel_loop3A_280 = tpu.vector_load %parallel_loop3A_277[%parallel_loop3A_278, %parallel_loop3A_279] {strides = array<i32>} : memref<128x128xf32, #tpu.memory_space<vmem>>, vector<16xf32>,
      %parallel_loop3A_281 = arith.mulf %parallel_loop3A_273, %parallel_loop3A_280 : vector<16xf32>
      %parallel_loop3A_282 = arith.constant 0 : i32
      %parallel_loop3A_283 = arith.constant 0 : i32
      %parallel_loop3A_284 = tpu.memref_slice %arg9[%parallel_loop3A_189, %parallel_loop3A_282, %parallel_loop3A_283] : memref<3x128x128xf32, #tpu.memory_space<vmem>> -> memref<1x128x128xf32, #tpu.memory_space<vmem>>
      %parallel_loop3A_285 = tpu.memref_squeeze %parallel_loop3A_284 : memref<1x128x128xf32, #tpu.memory_space<vmem>> -> memref<128x128xf32, #tpu.memory_space<vmem>>
      %parallel_loop3A_286 = arith.index_cast %parallel_loop3A_191 : i32 to index
      %parallel_loop3A_287 = arith.constant 96 : index
      %parallel_loop3A_288 = tpu.vector_load %parallel_loop3A_285[%parallel_loop3A_286, %parallel_loop3A_287] {strides = array<i32>} : memref<128x128xf32, #tpu.memory_space<vmem>>, vector<16xf32>,
      %parallel_loop3A_289 = arith.constant 0 : i32
      %parallel_loop3A_290 = arith.constant 0 : i32
      %parallel_loop3A_291 = tpu.memref_slice %arg10[%parallel_loop3A_190, %parallel_loop3A_289, %parallel_loop3A_290] : memref<3x128x128xf32, #tpu.memory_space<vmem>> -> memref<1x128x128xf32, #tpu.memory_space<vmem>>
      %parallel_loop3A_292 = tpu.memref_squeeze %parallel_loop3A_291 : memref<1x128x128xf32, #tpu.memory_space<vmem>> -> memref<128x128xf32, #tpu.memory_space<vmem>>
      %parallel_loop3A_293 = arith.index_cast %parallel_loop3A_191 : i32 to index
      %parallel_loop3A_294 = arith.constant 96 : index
      %parallel_loop3A_295 = tpu.vector_load %parallel_loop3A_292[%parallel_loop3A_293, %parallel_loop3A_294] {strides = array<i32>} : memref<128x128xf32, #tpu.memory_space<vmem>>, vector<16xf32>,
      %parallel_loop3A_296 = arith.mulf %parallel_loop3A_288, %parallel_loop3A_295 : vector<16xf32>
      %parallel_loop3A_297 = arith.constant 0 : i32
      %parallel_loop3A_298 = arith.constant 0 : i32
      %parallel_loop3A_299 = tpu.memref_slice %arg9[%parallel_loop3A_189, %parallel_loop3A_297, %parallel_loop3A_298] : memref<3x128x128xf32, #tpu.memory_space<vmem>> -> memref<1x128x128xf32, #tpu.memory_space<vmem>>
      %parallel_loop3A_300 = tpu.memref_squeeze %parallel_loop3A_299 : memref<1x128x128xf32, #tpu.memory_space<vmem>> -> memref<128x128xf32, #tpu.memory_space<vmem>>
      %parallel_loop3A_301 = arith.index_cast %parallel_loop3A_191 : i32 to index
      %parallel_loop3A_302 = arith.constant 112 : index
      %parallel_loop3A_303 = tpu.vector_load %parallel_loop3A_300[%parallel_loop3A_301, %parallel_loop3A_302] {strides = array<i32>} : memref<128x128xf32, #tpu.memory_space<vmem>>, vector<16xf32>,
      %parallel_loop3A_304 = arith.constant 0 : i32
      %parallel_loop3A_305 = arith.constant 0 : i32
      %parallel_loop3A_306 = tpu.memref_slice %arg10[%parallel_loop3A_190, %parallel_loop3A_304, %parallel_loop3A_305] : memref<3x128x128xf32, #tpu.memory_space<vmem>> -> memref<1x128x128xf32, #tpu.memory_space<vmem>>
      %parallel_loop3A_307 = tpu.memref_squeeze %parallel_loop3A_306 : memref<1x128x128xf32, #tpu.memory_space<vmem>> -> memref<128x128xf32, #tpu.memory_space<vmem>>
      %parallel_loop3A_308 = arith.index_cast %parallel_loop3A_191 : i32 to index
      %parallel_loop3A_309 = arith.constant 112 : index
      %parallel_loop3A_310 = tpu.vector_load %parallel_loop3A_307[%parallel_loop3A_308, %parallel_loop3A_309] {strides = array<i32>} : memref<128x128xf32, #tpu.memory_space<vmem>>, vector<16xf32>,
      %parallel_loop3A_311 = arith.mulf %parallel_loop3A_303, %parallel_loop3A_310 : vector<16xf32>
      %parallel_loop3A_312 = arith.addf %parallel_loop3A_206, %parallel_loop3A_221 : vector<16xf32>
      %parallel_loop3A_313 = arith.addf %parallel_loop3A_236, %parallel_loop3A_251 : vector<16xf32>
      %parallel_loop3A_314 = arith.addf %parallel_loop3A_266, %parallel_loop3A_281 : vector<16xf32>
      %parallel_loop3A_315 = arith.addf %parallel_loop3A_296, %parallel_loop3A_311 : vector<16xf32>
      %parallel_loop3A_316 = arith.addf %parallel_loop3A_312, %parallel_loop3A_313 : vector<16xf32>
      %parallel_loop3A_317 = arith.addf %parallel_loop3A_314, %parallel_loop3A_315 : vector<16xf32>
      %parallel_loop3A_318 = arith.addf %parallel_loop3A_316, %parallel_loop3A_317 : vector<16xf32>
      %parallel_loop3A_319 = arith.constant true
      %parallel_loop3A_320 = vector.broadcast %parallel_loop3A_319 : i1 to vector<16xi1>
      %parallel_loop3A_321 = tpu.scan <sum>, %parallel_loop3A_318 masked %parallel_loop3A_320 : vector<16xf32>, vector<16xi1> -> vector<16xf32>
      %parallel_loop3A_322 = arith.constant 384 : i32
      %parallel_loop3A_323 = arith.addi %parallel_loop3A_322, %parallel_loop3A_191 : i32
      %parallel_loop3A_324 = arith.constant 15 : i32
      %parallel_loop3A_325 = vector.broadcast %parallel_loop3A_324 : i32 to vector<16xi32>
      %parallel_loop3A_326 = arith.cmpi eq, %iota3A_185, %parallel_loop3A_325 : vector<16xi32>
      %parallel_loop3A_327 = arith.index_cast %parallel_loop3A_323 : i32 to index
      %parallel_loop3A_328 = tpu.vector_load %arg11[%parallel_loop3A_327] masked %parallel_loop3A_326 {strides = array<i32>} : memref<520xf32, #tpu.memory_space<vmem>>, vector<16xf32>, vector<16xi1>
      tpu.vector_store %arg11[%parallel_loop3A_327], %parallel_loop3A_321 masked %parallel_loop3A_326 {strides = array<i32>} : memref<520xf32, #tpu.memory_space<vmem>>, vector<16xf32>, vector<16xi1>
    } {sc.loop_unroll_factor = 2 : i64, sc.parallel_access}
    "tpu.region"() ({
      %run_scoped3A = tpu.sem_alloc : memref<!tpu.dma_semaphore, #tpu.memory_space<semaphore_mem>>
      %dma_start3A_191 = arith.constant 0 : i32
      %dma_start3A_192 = tpu.memref_slice %arg11[%dma_start3A_191] : memref<520xf32, #tpu.memory_space<vmem>> -> memref<512xf32, #tpu.memory_space<vmem>>
      %dma_start3A_193 = tpu.memref_slice %arg6[%mul3A_2] : memref<16384xf32, #tpu.memory_space<hbm>> -> memref<512xf32, #tpu.memory_space<hbm>>
      %dma_start3A_194 = tpu.memref_slice %arg6[%mul3A_2] : memref<16384xf32, #tpu.memory_space<hbm>> -> memref<512xf32, #tpu.memory_space<hbm>>
      %dma_start3A_195 = arith.constant 0 : i32
      %dma_start3A_196 = tpu.memref_slice %arg11[%dma_start3A_195] : memref<520xf32, #tpu.memory_space<vmem>> -> memref<512xf32, #tpu.memory_space<vmem>>
      tpu.enqueue_dma source(%dma_start3A_196 : memref<512xf32, #tpu.memory_space<vmem>>) target(%dma_start3A_194 : memref<512xf32, #tpu.memory_space<hbm>>) target_semaphore(%run_scoped3A : memref<!tpu.dma_semaphore, #tpu.memory_space<semaphore_mem>>)
      %dma_wait3A_197 = arith.constant 0 : i32
      %dma_wait3A_198 = tpu.memref_slice %arg11[%dma_wait3A_197] : memref<520xf32, #tpu.memory_space<vmem>> -> memref<512xf32, #tpu.memory_space<vmem>>
      %dma_wait3A_199 = tpu.memref_slice %arg6[%mul3A_2] : memref<16384xf32, #tpu.memory_space<hbm>> -> memref<512xf32, #tpu.memory_space<hbm>>
      %dma_wait3A_200 = tpu.memref_slice %arg6[%mul3A_2] : memref<16384xf32, #tpu.memory_space<hbm>> -> memref<512xf32, #tpu.memory_space<hbm>>
      %dma_wait3A_201 = arith.constant 0 : i32
      %dma_wait3A_202 = tpu.memref_slice %arg11[%dma_wait3A_201] : memref<520xf32, #tpu.memory_space<vmem>> -> memref<512xf32, #tpu.memory_space<vmem>>
      tpu.wait_dma2 semaphore(%run_scoped3A : memref<!tpu.dma_semaphore, #tpu.memory_space<semaphore_mem>>) src(%dma_wait3A_202 : memref<512xf32, #tpu.memory_space<vmem>>) dst(%dma_wait3A_200 : memref<512xf32, #tpu.memory_space<hbm>>)
      tpu.yield
    }) : () -> ()
    return
  }
}

</mosaic_0001>

<sc_bundles>
// kernel: kernel.3.cloned.1.call-start
scs
__scs_entry_jumppad:
0x0: {  	(pc) =	sbr.rel $0x88, $3  }
0x1: {  	(tag) =	ssettag $0x0;
	lr =	simm.s32 $0x1  }
0x2: {  	[smem:$0x3F9D] =	sst lr;
	_ =	strace $0xD0000000  }
0x3: {  	_ = 	snop  }
0x4: {  	_ = 	snop  }
0x5: {  	_ = 	snop  }
0x6: {  	_ = 	snop  }
0x7: {  	_ = 	snop  }
__scs_overlays_trampoline_lowered:
0x8: {  	[smem:$0x3FAC] =	sst s0  }
0x9: {  	[smem:$0x3FAD] =	sst s1  }
0xa: {  	[smem:$0x3FAE] =	sst s2  }
0xb: {  	[smem:$0x3FAF] =	sst s3  }
0xc: {  	[smem:$0x3FB0] =	sst s4  }
0xd: {  	[smem:$0x3FB1] =	sst s5  }
0xe: {  	[smem:$0x3FB2] =	sst s6  }
0xf: {  	[smem:$0x3FB3] =	sst s7  }
0x10: {  	[smem:$0x3FB4] =	sst s8  }
0x11: {  	[smem:$0x3FB5] =	sst s9;
	s0 =	simm.s32 @!p0 $0x0  }
0x12: {  	s1 =	sld [smem:$0x3F9B];
	s0 =	simm.s32 @p0 $0x1  }
0x13: {  	[smem:$0x3FB6] =	sst s0;
	s0 =	simm.s32 @!p1 $0x0  }
0x14: {  	s2 =	sld [smem:$0x3F9A];
	s0 =	simm.s32 @p1 $0x1  }
0x15: {  	[smem:$0x3FB7] =	sst s0;
	s0 =	simm.s32 @!p2 $0x0  }
0x16: {  	s3 =	sld [smem:$0x3FDB];
	s0 =	simm.s32 @p2 $0x1  }
0x17: {  	s4 =	simm.s32 $0x1BF5;
	[smem:$0x3FB9] =	sst s0  }
0x18: {  	s0 =	sld [smem:$0x3F9C];
	_ =	swait.ge [sflag:s4], $0x0  }
0x19: {  	s7 =	sld [smem:$0x3F9D]  }
0x1a: {  	s8 =	sadd.s32 $0xFFFFE003, lr  }
0x1b: {  	s9 =	sadd.s32 $0xFFFFFEF7, lr;
	s5 =	simm.s32 $0xFFFFFFFF;
	p2 =	slt.u32 s8, $0xFFFFF086  }
0x1c: {  	p1 =	slt.u32 s9, $0xF7A;
	s5 =	simm.s32 @!p2 $0x0  }
0x1d: {  	s5 =	simm.s32 @p1 $0x1;
	p0 =	seq.s32 s7, s2  }
0x1e: {  	s7 =	smul.u32 @!p0 $0xF7A, s2;
	p2 =	seq.s32 @!p0 s5, $0x0  }
0x1f: {  	s9 =	smul.u32 $0xF7A, s1;
	s8 =	simm.s32 @!p0 $0x1BF5;
	p2 =	por !p2, p0  }
0x20: {  	[sflag:s8] =	ssyncset.s32 @!p0 $0xFFFFF086;
	s6 =	sadd.s32 @!p0 s3, s7;
	s7 =	simm.s32 @!p0 $0x108  }
0x21: {  	s3 =	sadd.s32 s3, s9;
	s6 =	sadd.s32 @!p0 $0x88, s6;
	s7 =	simm.s32 @p2 $0x1082  }
0x22: {  	[simem:s7], [sflag:s8] =	dma.local @!p0 [hbm:s6], $0xF7A  }
0x23: {  	s9 =	sor.u32 $0xD0000000, s2;
	s6 =	simm.s32 $0x108;
	_ =	swait.ge @!p0 [sflag:s8], $0x0  }
0x24: {  	s3 =	sadd.s32 $0x88, s3;
	s6 =	simm.s32 @!p1 $0x1082;
	[sflag:s4] =	ssyncset.s32 $0xFFFFF086  }
0x25: {  	[simem:s6], [sflag:s4] =	dma.local [hbm:s3], $0xF7A  }
0x26: {  	[smem:$0x3F9D] =	sst s1;
	(tag) =	ssettag s2;
	_ =	strace s9  }
0x27: {  	s1 =	sld [smem:$0x3FAD]  }
0x28: {  	s2 =	sld [smem:$0x3FAE]  }
0x29: {  	s4 =	sld [smem:$0x3FB0]  }
0x2a: {  	p0 =	seq.s32 s5, $0x0;
	s5 =	sld [smem:$0x3FB1]  }
0x2b: {  	s6 =	sld [smem:$0x3FB2]  }
0x2c: {  	s7 =	sld [smem:$0x3FB3]  }
0x2d: {  	s3 =	simm.s32 $0x108;
	s8 =	sld [smem:$0x3FB4]  }
0x2e: {  	s3 =	simm.s32 @!p0 $0x1082;
	s9 =	sld [smem:$0x3FB5]  }
0x2f: {  	lr =	sadd.s32 s0, s3;
	s0 =	sld [smem:$0x3FAC]  }
0x30: {  	s3 =	sld [smem:$0x3FAF]  }
0x31: {  	[smem:$0x3FB8] =	sst s10  }
0x32: {  	s10 =	sld [smem:$0x3FB6];
	_ =	sdelay $0x3  }
0x33: {  	p0 =	seq.s32 s10, $0x1;
	s10 =	sld [smem:$0x3FB8];
	_ =	sdelay $0x3  }
0x34: {  	[smem:$0x3FB8] =	sst s10  }
0x35: {  	s10 =	sld [smem:$0x3FB7];
	_ =	sdelay $0x3  }
0x36: {  	p1 =	seq.s32 s10, $0x1;
	s10 =	sld [smem:$0x3FB8];
	_ =	sdelay $0x3  }
0x37: {  	[smem:$0x3FB8] =	sst s10  }
0x38: {  	s10 =	sld [smem:$0x3FB9]  }
0x39: {  	_ = 	snop;
	(pc) =	sbr.ind lr, $3  }
0x3a: {  	_ = 	snop  }
0x3b: {  	_ = 	snop  }
0x3c: {  	p2 =	seq.s32 s10, $0x1;
	s10 =	sld [smem:$0x3FB8]  }
0x3d: {  	_ =	shalt  }
0x3e: {  	_ =	shalt  }
0x3f: {  	_ =	shalt  }
0x40: {  	_ =	shalt  }
0x41: {  	_ =	shalt  }
0x42: {  	_ =	shalt  }
0x43: {  	_ =	shalt  }
0x44: {  	_ =	shalt  }
0x45: {  	_ =	shalt  }
0x46: {  	_ =	shalt  }
0x47: {  	_ =	shalt  }
0x48: {  	_ =	shalt  }
0x49: {  	_ =	shalt  }
0x4a: {  	_ =	shalt  }
0x4b: {  	_ =	shalt  }
0x4c: {  	_ =	shalt  }
0x4d: {  	_ =	shalt  }
0x4e: {  	_ =	shalt  }
0x4f: {  	_ =	shalt  }
0x50: {  	_ =	shalt  }
0x51: {  	_ =	shalt  }
0x52: {  	_ =	shalt  }
0x53: {  	_ =	shalt  }
0x54: {  	_ =	shalt  }
0x55: {  	_ =	shalt  }
0x56: {  	_ =	shalt  }
0x57: {  	_ =	shalt  }
0x58: {  	_ =	shalt  }
0x59: {  	_ =	shalt  }
0x5a: {  	_ =	shalt  }
0x5b: {  	_ =	shalt  }
0x5c: {  	_ =	shalt  }
0x5d: {  	_ =	shalt  }
0x5e: {  	_ =	shalt  }
0x5f: {  	_ =	shalt  }
0x60: {  	_ =	shalt  }
0x61: {  	_ =	shalt  }
0x62: {  	_ =	shalt  }
0x63: {  	_ =	shalt  }
0x64: {  	_ =	shalt  }
0x65: {  	_ =	shalt  }
0x66: {  	_ =	shalt  }
0x67: {  	_ =	shalt  }
0x68: {  	_ =	shalt  }
0x69: {  	_ =	shalt  }
0x6a: {  	_ =	shalt  }
0x6b: {  	_ =	shalt  }
0x6c: {  	_ =	shalt  }
0x6d: {  	_ =	shalt  }
0x6e: {  	_ =	shalt  }
0x6f: {  	_ =	shalt  }
0x70: {  	_ =	shalt  }
0x71: {  	_ =	shalt  }
0x72: {  	_ =	shalt  }
0x73: {  	_ =	shalt  }
0x74: {  	_ =	shalt  }
0x75: {  	_ =	shalt  }
0x76: {  	_ =	shalt  }
0x77: {  	_ =	shalt  }
0x78: {  	_ =	shalt  }
0x79: {  	_ =	shalt  }
0x7a: {  	_ =	shalt  }
0x7b: {  	_ =	shalt  }
0x7c: {  	_ =	shalt  }
0x7d: {  	_ =	shalt  }
0x7e: {  	_ =	shalt  }
0x7f: {  	_ =	shalt  }
0x80: {  	_ =	shalt  }
0x81: {  	_ =	shalt  }
0x82: {  	_ =	shalt  }
0x83: {  	_ =	shalt  }
0x84: {  	_ =	shalt  }
0x85: {  	_ =	shalt  }
0x86: {  	_ =	shalt  }
0x87: {  	_ =	shalt  }
.Lfunc_end0:
.L_simem_size_0:
called_computation_lowered:
.L_overlay_start_0:
0x88: {  	s2 =	sld [smem:$0x3FD9]  }
0x89: {  	s3 =	sld [smem:$0x3FFE];
	_ =	sdelay $0x1  }
0x8a: {  	s1 =	srdreg.scid  }
0x8b: {  	s0 =	sand.u32 $0x1, s1  }
0x8c: {  	s18 =	sshll.u32 s0, $0xA;
	s2 =	sadd.s32 s3, s2  }
0x8d: {  	s2 =	sadd.s32 s2, s18  }
0x8e: {  	[smem:$0x3FC4] =	sst s2  }
0x8f: {  	_ = 	snop  }
0x90: {  	s2 =	sld [smem:$0x3FC9]  }
0x91: {  	s19 =	sld [smem:$0x3FC8]  }
0x92: {  	s4 =	sld [smem:$0x3FC7]  }
0x93: {  	s5 =	sld [smem:$0x3FC6]  }
0x94: {  	s6 =	sld [smem:$0x3FD0];
	(tm) =	ssettm $0x1  }
0x95: {  	s7 =	sld [smem:$0x3FFB];
	_ =	sdelay $0x3  }
0x96: {  	_ =	strace s7  }
0x97: {  	s7 =	sld [smem:$0x3FFC];
	_ =	sdelay $0x3  }
0x98: {  	_ =	strace s7  }
0x99: {  	s7 =	sld [smem:$0x3FFD];
	_ =	sdelay $0x3  }
0x9a: {  	_ =	strace s7  }
0x9b: {  	_ =	strace $0x8FFFFFFF  }
0x9c: {  	s20 =	sld [smem:$0x3FDB];
	_ =	sdelay $0x1  }
0x9d: {  	s8 =	simm.s32 $_scs_section_size  }
0x9e: {  	s9 =	simm.s32 $_size__tile_overlayer_lowered;
	s10 =	simm.s32 $_tile_overlayer_lowered  }
0x9f: {  	s23 =	simm.s32 $0x1BFF;
	s22 =	sshll.u32 s10, $0x1;
	s7 =	sadd.s32 s8, s20  }
0xa0: {  	s11 =	simm.s32 $0x0;
	s21 =	sshll.u32 s9, $0x1;
	s9 =	sadd.s32 s22, s7  }
0xa1: {  	[timem:s11], [sflag:s23] =	dma.local [hbm:s9], s21  }
0xa2: {  	_ =	swait.ge [sflag:s23], s21  }
0xa3: {  	s8 =	ssub.s32 $0x0, s21;
	[sflag:s23] =	ssyncset.done $0x0  }
0xa4: {  	[sflag:s23] =	ssyncadd.s32 s8;
	_ =	sdelay $0x1  }
0xa5: {  	s24 =	simm.s32 $0x1B8B  }
0xa6: {  	_ =	swait.ge [sflag:s24], $0x1  }
0xa7: {  	[sflag:s24] =	ssyncset.done $0x0  }
0xa8: {  	s25 =	simm.s32 $0x1B8E;
	[sflag:s24] =	ssyncadd.s32 $0xFFFFFFFF  }
0xa9: {  	s26 =	simm.s32 $execute0_lowered;
	[smem:$0x3FD2] =	sst s25  }
0xaa: {  	s8 =	sshll.u32 s26, $0x1;
	_ =	strace $0x80000046;
	[dreg:$0x1] =	wrdreg $0xFFFFFFFF  }
0xab: {  	s28 =	simm.s32 $_size_execute0_lowered;
	s7 =	sadd.s32 s7, s8;
	[dreg:$0x0] =	wrdreg $0x0  }
0xac: {  	s8 =	sshll.u32 s28, $0x1;
	[dreg:$0x2] =	wrdreg s7  }
0xad: {  	[dreg:$0x3] =	wrdreg s8  }
0xae: {  	[dreg:$0x4] =	wrdreg $0xC0  }
0xaf: {  	_ =	task [dreg:s11], $0x5FFFF  }
0xb0: {  	[dreg:$0x1] =	wrdreg $0xFFFFFFFF  }
0xb1: {  	[dreg:$0x0] =	wrdreg $0x60  }
0xb2: {  	[dreg:$0x2] =	wrdreg s2  }
0xb3: {  	[dreg:$0x3] =	wrdreg s19  }
0xb4: {  	[dreg:$0x4] =	wrdreg s4  }
0xb5: {  	[dreg:$0x5] =	wrdreg s5  }
0xb6: {  	[dreg:$0x6] =	wrdreg s6  }
0xb7: {  	[dreg:$0x7] =	wrdreg $0x9  }
0xb8: {  	_ =	task.clear_ibuf [dreg:s11], $0x8FFFF;
	_ =	strace $0x90000046  }
0xb9: {  	s29 =	simm.s32 $0x9;
	_ =	strace $0x80000048  }
0xba: {  	_ =	swait.ge [sflag:s29], $0x1  }
0xbb: {  	[sflag:s29] =	ssyncadd.s32 $0xFFFFFFFF  }
0xbc: {  	_ =	strace $0x90000048  }
0xbd: {  	_ =	sfence  }
0xbe: {  	s30 =	sld [smem:$0x0];
	_ =	sdelay $0x2  }
0xbf: {  	s31 =	sshll.u32 s1, $0xD;
	s1 =	sshrl.u32 s1, $0x2  }
0xc0: {  	s3 =	sand.u32 $0x4000, s31;
	s1 =	sadd.s32 s1, s30  }
0xc1: {  	s0 =	sor.u32 s3, s0;
	s1 =	sshll.u32 s1, $0x11  }
0xc2: {  	s0 =	sor.u32 s1, s0  }
0xc3: {  	s0 =	sadd.s32 $0x8F2B, s0  }
0xc4: {  	[sflag:s0] =	ssyncadd.remote.s32 $0x1  }
0xc5: {  	_ =	sfence.sel $0xFFFF  }
0xc6: {  	[dreg:$0x0] =	wrdreg $0xFFFFFFFF;
	(pc) =	sbr.abs _section_cstart, $3  }
0xc7: {  	[dreg:$0x1] =	wrdreg $0xFFFFFFFF  }
0xc8: {  	_ =	task.clear_ibuf [dreg:s11], $0x2FFFF;
	_ =	strace $0x9FFFFFFF  }
0xc9: {  	(tm) =	ssettm $0x7FFFFFFF  }
tec
execute0_lowered:
.L_overlay_start_1:
0x0: {  	(tag) =	ssettag $0x1  }
0x1: {  	s5 =	rddreg [dreg:$0x0]  }
0x2: {  	s6 =	rddreg [dreg:$0x1]  }
0x3: {  	s1 =	rddreg [dreg:$0x2]  }
0x4: {  	s2 =	rddreg [dreg:$0x3]  }
0x5: {  	s7 =	rddreg [dreg:$0x4]  }
0x6: {  	s0 =	rddreg [dreg:$0x5];
	s8 =	srdreg.scid  }
0x7: {  	s4 =	simm.s32 $0x0;
	s3 =	stileid.u32;
	s12 =	simm.s32 $0x80  }
0x8: {  	s13 =	simm.s32 $0x400;
	s14 =	simm.s32 $0xC400;
	s15 =	simm.s32 $0x4400  }
0x9: {  	s16 =	simm.s32 $0x280;
	s17 =	simm.s32 $0x10400;
	s18 =	simm.s32 $0x100  }
0xa: {  	s19 =	simm.s32 $0x8400;
	s20 =	simm.s32 $0x300;
	s21 =	simm.s32 $0x14400  }
0xb: {  	s22 =	simm.s32 $0x180;
	s23 =	simm.s32 $0x380;
	s24 =	simm.s32 $0x18400  }
0xc: {  	s25 =	simm.s32 $0x3;
	s26 =	simm.s32 $0x0;
	s8 =	sand.u32 $0x1, s8  }
0xd: {  	s10 =	sshll.u32 s3, $0x7;
	[smem:$0x7FF] =	sst s4;
	s9 =	ssub.s32 $0x2, s8  }
0xe: {  	s8 =	sshll.u32 s8, $0x6;
	_ =	strace $0x80000047;
	s11 =	sshrl.u32 s9, $0x1  }
0xf: {  	s8 =	sor.u32 s8, s10;
	s10 =	simm.s32 $0x1;
	s9 =	ssub.s32 s9, s11  }
0x10: {  	s5 =	sadd.s32 s5, s8;
	s6 =	sadd.s32 s6, s8;
	s7 =	sadd.s32 s7, s8  }
0x11: {  	vm0 =	vcmask $0x3F3C;
	s11 =	simm.s32 $0x2;
	s8 =	smax.u32 s9, $0x1;
	s9 =	simm.s32 $0x200  }
.LBB2_1:
0x12: {  	[tilespmem:s4], [sflag:$0x1] =	stream.linear.gather [hbm4b:s5+s4], $0x200, $0x38;
	[tilespmem:$0x18680] =	vst v63  }
0x13: {  	_ = 	snop  }
0x14: {  	[tilespmem:s9], [sflag:$0x2] =	stream.linear.gather [hbm4b:s6+s4], $0x200, $0x38;
	[tilespmem:$0x18680] =	vst v63  }
0x15: {  	_ =	swait.ge [sflag:s10], $0x200  }
0x16: {  	[sflag:s10] =	ssyncset.done $0x0  }
0x17: {  	[sflag:s10] =	ssyncadd.s32 $0xFFFFFE00  }
0x18: {  	_ =	swait.ge [sflag:s11], $0x200  }
0x19: {  	[sflag:s11] =	ssyncset.done $0x0  }
0x1a: {  	[sflag:s11] =	ssyncadd.s32 $0xFFFFFE00  }
0x1b: {  	[tilespmem:s13], [sflag:$0x1] =	stream.indirect.gather [hbm4b:s1+s12], $0x80, s4, s12, $0xb8;
	[tilespmem:$0x18680] =	vst v63  }
0x1c: {  	_ = 	snop  }
0x1d: {  	[tilespmem:s14], [sflag:$0x2] =	stream.indirect.gather [hbm4b:s2+s12], $0x80, s9, s12, $0xb8;
	[tilespmem:$0x18680] =	vst v63  }
0x1e: {  	_ = 	snop  }
0x1f: {  	[tilespmem:s15], [sflag:$0x1] =	stream.indirect.gather [hbm4b:s1+s12], $0x80, s12, s12, $0xb8;
	[tilespmem:$0x18680] =	vst v63  }
0x20: {  	_ = 	snop  }
0x21: {  	[tilespmem:s17], [sflag:$0x2] =	stream.indirect.gather [hbm4b:s2+s12], $0x80, s16, s12, $0xb8;
	[tilespmem:$0x18680] =	vst v63  }
0x22: {  	_ = 	snop  }
0x23: {  	[tilespmem:s19], [sflag:$0x1] =	stream.indirect.gather [hbm4b:s1+s12], $0x80, s18, s12, $0xb8;
	[tilespmem:$0x18680] =	vst v63  }
0x24: {  	_ = 	snop  }
0x25: {  	[tilespmem:s21], [sflag:$0x2] =	stream.indirect.gather [hbm4b:s2+s12], $0x80, s20, s12, $0xb8;
	[tilespmem:$0x18680] =	vst v63  }
0x26: {  	_ =	swait.ge [sflag:s10], $0x4000  }
0x27: {  	[sflag:s10] =	ssyncset.done $0x0  }
0x28: {  	[sflag:s10] =	ssyncadd.s32 $0xFFFFC000  }
0x29: {  	_ =	swait.ge [sflag:s11], $0x4000  }
0x2a: {  	[sflag:s11] =	ssyncset.done $0x0  }
0x2b: {  	s28 =	simm.s32 $0x480;
	[sflag:s11] =	ssyncadd.s32 $0xFFFFC000  }
0x2c: {  	s29 =	simm.s32 $0xC480;
	v0 =	vld [tilespmem:s28+$0x0]  }
0x2d: {  	v1 =	vld [tilespmem:s29+$0x0]  }
0x2e: {  	v2 =	vld [tilespmem:s28+$0x10]  }
0x2f: {  	v3 =	vld [tilespmem:s29+$0x10]  }
0x30: {  	v4 =	vld [tilespmem:s28+$0x20]  }
0x31: {  	v5 =	vld [tilespmem:s29+$0x20]  }
0x32: {  	v6 =	vld [tilespmem:s28+$0x30]  }
0x33: {  	v7 =	vld [tilespmem:s29+$0x30]  }
0x34: {  	v8 =	vld [tilespmem:s28+$0x40]  }
0x35: {  	v9 =	vld [tilespmem:s29+$0x40]  }
0x36: {  	v10 =	vld [tilespmem:s28+$0x50]  }
0x37: {  	v11 =	vld [tilespmem:s29+$0x50]  }
0x38: {  	v12 =	vld [tilespmem:s28+$0x60]  }
0x39: {  	v13 =	vld [tilespmem:s29+$0x60]  }
0x3a: {  	v14 =	vld [tilespmem:s28+$0x70]  }
0x3b: {  	v15 =	vld [tilespmem:s29+$0x70]  }
0x3c: {  	v16 =	vld [tilespmem:s29+$0xFFFFFF80]  }
0x3d: {  	v17 =	vld [tilespmem:s28+$0xFFFFFF90]  }
0x3e: {  	v18 =	vld [tilespmem:s29+$0xFFFFFF90]  }
0x3f: {  	v19 =	vld [tilespmem:s28+$0xFFFFFFA0]  }
0x40: {  	v20 =	vld [tilespmem:s29+$0xFFFFFFA0]  }
0x41: {  	v21 =	vld [tilespmem:s28+$0xFFFFFFB0]  }
0x42: {  	v22 =	vld [tilespmem:s29+$0xFFFFFFB0]  }
0x43: {  	v23 =	vld [tilespmem:s28+$0xFFFFFFC0]  }
0x44: {  	v24 =	vld [tilespmem:s29+$0xFFFFFFC0]  }
0x45: {  	v25 =	vld [tilespmem:s28+$0xFFFFFFD0]  }
0x46: {  	v26 =	vld [tilespmem:s29+$0xFFFFFFD0]  }
0x47: {  	v27 =	vld [tilespmem:s28+$0xFFFFFFE0]  }
0x48: {  	v28 =	vld [tilespmem:s29+$0xFFFFFFE0]  }
0x49: {  	v29 =	vld [tilespmem:s28+$0xFFFFFFF0]  }
0x4a: {  	v30 =	vld [tilespmem:s29+$0xFFFFFFF0]  }
0x4b: {  	s31 =	simm.s32 $0x580;
	v31 =	vld [tilespmem:s28+$0xFFFFFF80]  }
0x4c: {  	v32 =	vld [tilespmem:s31+$0x0]  }
0x4d: {  	v34 =	vld [tilespmem:s31+$0x10]  }
0x4e: {  	v50 =	vld [tilespmem:s31+$0x40]  }
0x4f: {  	v54 =	vld [tilespmem:s31+$0x50];
	v0 =	vmul.f32 v1, v0  }
0x50: {  	s28 =	simm.s32 $0xC580;
	v56 =	vld [tilespmem:s31+$0x60];
	v1 =	vmul.f32 v3, v2;
	v3 =	vmul.f32 v5, v4  }
0x51: {  	v33 =	vld [tilespmem:s28+$0x0];
	v4 =	vmul.f32 v7, v6;
	v6 =	vmul.f32 v9, v8  }
0x52: {  	v35 =	vld [tilespmem:s28+$0x10];
	v7 =	vmul.f32 v11, v10;
	v9 =	vmul.f32 v13, v12  }
0x53: {  	v52 =	vld [tilespmem:s28+$0x40];
	v10 =	vmul.f32 v15, v14;
	v49 =	vmul.f32 v20, v19  }
0x54: {  	v55 =	vld [tilespmem:s28+$0x50];
	v51 =	vmul.f32 v24, v23;
	v53 =	vmul.f32 v28, v27  }
0x55: {  	v57 =	vld [tilespmem:s28+$0x60];
	v16 =	vmul.f32 v16, v31;
	v0 =	vadd.f32 v1, v0;
	v3 =	vadd.f32 v4, v3  }
0x56: {  	v2 =	vld [tilespmem:s31+$0x20];
	v4 =	vmul.f32 v22, v21;
	v6 =	vadd.f32 v7, v6;
	v7 =	vmul.f32 v26, v25  }
0x57: {  	v5 =	vld [tilespmem:s28+$0x20];
	v1 =	vmul.f32 v18, v17;
	v9 =	vadd.f32 v10, v9;
	v10 =	vmul.f32 v30, v29  }
0x58: {  	v8 =	vld [tilespmem:s31+$0x30];
	v4 =	vadd.f32 v4, v49;
	v7 =	vadd.f32 v7, v51  }
0x59: {  	v11 =	vld [tilespmem:s28+$0x30];
	v10 =	vadd.f32 v10, v53;
	v1 =	vadd.f32 v1, v16  }
0x5a: {  	v0 =	vadd.f32 v3, v0;
	v3 =	vadd.f32 v9, v6;
	v6 =	vld [tilespmem:s31+$0x70]  }
0x5b: {  	v7 =	vadd.f32 v10, v7;
	v1 =	vadd.f32 v4, v1;
	v4 =	vld [tilespmem:s28+$0x70]  }
0x5c: {  	v61 =	vld [tilespmem:s31+$0xFFFFFFC0];
	v3 =	vadd.f32 v3, v0  }
0x5d: {  	v58 =	vld [tilespmem:s28+$0xFFFFFFA0];
	v59 =	vmul.f32 v55, v54;
	v12 =	vmul.f32 v57, v56;
	v1 =	vadd.f32 v7, v1  }
0x5e: {  	v60 =	vld [tilespmem:s28+$0xFFFFFFB0];
	v2 =	vmul.f32 v5, v2;
	v5 =	vmul.f32 v11, v8;
	(xrf2) =	vadd.scan.msk.f32 $0xffff, v3  }
0x5f: {  	v62 =	vld [tilespmem:s28+$0xFFFFFFD0];
	v11 =	vmul.f32 v52, v50;
	v10 =	vmul.f32 v35, v34;
	(xrf2) =	vadd.scan.msk.f32 $0xffff, v1  }
0x60: {  	v9 =	vld [tilespmem:s28+$0xFFFFFF90];
	v3 =	vmul.f32 v33, v32;
	v4 =	vmul.f32 v4, v6  }
0x61: {  	v8 =	vld [tilespmem:s31+$0xFFFFFFB0];
	v2 =	vadd.f32 v5, v2;
	v5 =	vadd.f32 v59, v11  }
0x62: {  	v0 =	vld [tilespmem:s28+$0xFFFFFF80];
	v3 =	vadd.f32 v10, v3;
	v4 =	vadd.f32 v4, v12  }
0x63: {  	v11 =	vld [tilespmem:s31+$0xFFFFFFD0]  }
0x64: {  	v1 =	vld [tilespmem:s31+$0xFFFFFFA0];
	v2 =	vadd.f32 v2, v3;
	v5 =	vadd.f32 v4, v5  }
0x65: {  	v7 =	vld [tilespmem:s31+$0xFFFFFF90]  }
0x66: {  	v10 =	vld [tilespmem:s28+$0xFFFFFFC0];
	v2 =	vadd.f32 v5, v2  }
0x67: {  	v3 =	vld [tilespmem:s31+$0xFFFFFFE0]  }
0x68: {  	s29 =	simm.s32 $0x18401;
	v4 =	vld [tilespmem:s28+$0xFFFFFFE0];
	v6, _, _ =	vpop (xrf2);
	(xrf2) =	vadd.scan.msk.f32 $0xffff, v2  }
0x69: {  	v8 =	vmul.f32 v60, v8;
	v63 =	vmul.f32 v58, v1;
	v5 =	vld [tilespmem:s31+$0xFFFFFFF0];
	[tilespmem:s29+$0x0] =	vst.msk vm0, v6;
	v6, _, _ =	vpop (xrf2)  }
0x6a: {  	v1 =	vmul.f32 v9, v7;
	[tilespmem:s29+$0xFFFFFFFF] =	vst.msk vm0, v6;
	v6 =	vld [tilespmem:s28+$0xFFFFFFF0]  }
0x6b: {  	s30 =	simm.s32 $0x2;
	v7 =	vmul.f32 v10, v61;
	v9 =	vmul.f32 v62, v11;
	v2 =	vadd.f32 v8, v63;
	v8 =	vld [tilespmem:s31+$0xFFFFFF80];
	s31 =	simm.s32 $0x680  }
.LBB2_2:
0x6c: {  	v10 =	vld [tilespmem:s31+$0x0];
	s28 =	sadd.s32 $0x100, s28  }
0x6d: {  	v11 =	vld [tilespmem:s28+$0x0];
	v3 =	vmul.f32 v4, v3;
	v4 =	vadd.f32 v9, v7  }
0x6e: {  	v7 =	vld [tilespmem:s31+$0x10]  }
0x6f: {  	v9 =	vld [tilespmem:s28+$0x10];
	v5 =	vmul.f32 v6, v5  }
0x70: {  	v6 =	vld [tilespmem:s31+$0x20];
	v0 =	vmul.f32 v0, v8  }
0x71: {  	v8 =	vld [tilespmem:s28+$0x20];
	v3 =	vadd.f32 v5, v3  }
0x72: {  	s29 =	sadd.s32 $0x2, s29;
	v5 =	vld [tilespmem:s31+$0x30];
	v0 =	vadd.f32 v1, v0;
	v1, _, _ =	vpop (xrf2)  }
0x73: {  	v12 =	vld [tilespmem:s28+$0x30];
	v3 =	vadd.f32 v3, v4;
	[tilespmem:s29+$0x0] =	vst.msk vm0, v1  }
0x74: {  	v1 =	vld [tilespmem:s31+$0x40];
	v0 =	vadd.f32 v2, v0  }
0x75: {  	v2 =	vld [tilespmem:s28+$0x40]  }
0x76: {  	v4 =	vld [tilespmem:s31+$0x50];
	v0 =	vadd.f32 v3, v0  }
0x77: {  	v3 =	vld [tilespmem:s28+$0x50]  }
0x78: {  	v13 =	vld [tilespmem:s31+$0x60];
	(xrf2) =	vadd.scan.msk.f32 $0xffff, v0  }
0x79: {  	v14 =	vld [tilespmem:s28+$0x60]  }
0x7a: {  	v15 =	vld [tilespmem:s31+$0x70]  }
0x7b: {  	s30 =	sadd.s32 $0x2, s30;
	v16 =	vld [tilespmem:s28+$0x70]  }
0x7c: {  	p0 =	slt.u32 s30, $0x7E;
	v0 =	vld [tilespmem:s28+$0xFFFFFF80]  }
0x7d: {  	v10 =	vmul.f32 v11, v10;
	v7 =	vmul.f32 v9, v7;
	v17 =	vld [tilespmem:s31+$0xFFFFFF90]  }
0x7e: {  	v6 =	vmul.f32 v8, v6;
	v5 =	vmul.f32 v12, v5;
	v9 =	vld [tilespmem:s28+$0xFFFFFF90]  }
0x7f: {  	v1 =	vmul.f32 v2, v1;
	v2 =	vmul.f32 v3, v4;
	v8 =	vld [tilespmem:s31+$0xFFFFFFA0]  }
0x80: {  	v4 =	vmul.f32 v14, v13;
	v3 =	vld [tilespmem:s28+$0xFFFFFFA0];
	v11 =	vmul.f32 v16, v15  }
0x81: {  	v7 =	vadd.f32 v7, v10;
	v5 =	vadd.f32 v5, v6;
	v12 =	vld [tilespmem:s31+$0xFFFFFFB0]  }
0x82: {  	v2 =	vadd.f32 v2, v1;
	v6 =	vld [tilespmem:s28+$0xFFFFFFB0];
	v4 =	vadd.f32 v11, v4;
	v10, _, _ =	vpop (xrf2)  }
0x83: {  	v1 =	vmul.f32 v9, v17;
	v9 =	vld [tilespmem:s31+$0xFFFFFFC0];
	[tilespmem:s29+$0xFFFFFFFF] =	vst.msk vm0, v10  }
0x84: {  	v5 =	vadd.f32 v5, v7;
	v10 =	vld [tilespmem:s28+$0xFFFFFFC0];
	v2 =	vadd.f32 v4, v2  }
0x85: {  	v8 =	vmul.f32 v3, v8;
	v11 =	vld [tilespmem:s31+$0xFFFFFFD0]  }
0x86: {  	v13 =	vld [tilespmem:s28+$0xFFFFFFD0];
	v2 =	vadd.f32 v2, v5  }
.Ltmp0:
0x87: {  	v6 =	vmul.f32 v6, v12;
	v3 =	vld [tilespmem:s31+$0xFFFFFFE0];
	(pc) =	sbr.rel @p0 .LBB2_2-.Ltmp0, $4  }
0x88: {  	v4 =	vld [tilespmem:s28+$0xFFFFFFE0];
	(xrf2) =	vadd.scan.msk.f32 $0xffff, v2  }
0x89: {  	v7 =	vmul.f32 v10, v9;
	v5 =	vld [tilespmem:s31+$0xFFFFFFF0];
	v2 =	vadd.f32 v6, v8  }
0x8a: {  	v6 =	vld [tilespmem:s28+$0xFFFFFFF0]  }
0x8b: {  	v8 =	vld [tilespmem:s31+$0xFFFFFF80];
	v9 =	vmul.f32 v13, v11;
	s31 =	sadd.s32 $0x100, s31  }
0x8c: {  	_ =	sdelay $0x2  }
0x8d: {  	v3 =	vmul.f32 v4, v3  }
0x8e: {  	v4 =	vmul.f32 v6, v5;
	v0 =	vmul.f32 v0, v8  }
0x8f: {  	v5 =	vadd.f32 v9, v7  }
0x90: {  	v3 =	vadd.f32 v4, v3;
	v0 =	vadd.f32 v1, v0;
	_ =	sdelay $0x1  }
0x91: {  	v1 =	vadd.f32 v3, v5;
	v0 =	vadd.f32 v2, v0;
	_ =	sdelay $0x1  }
0x92: {  	v0 =	vadd.f32 v1, v0;
	_ =	sdelay $0x1  }
0x93: {  	(xrf2) =	vadd.scan.msk.f32 $0xffff, v0;
	_ =	sdelay $0x8  }
0x94: {  	s28 =	sadd.s32 $0x2, s29;
	v0, _, _ =	vpop (xrf2)  }
0x95: {  	[tilespmem:s28+$0x0] =	vst.msk vm0, v0;
	v0, _, _ =	vpop (xrf2)  }
0x96: {  	[tilespmem:s28+$0xFFFFFFFF] =	vst.msk vm0, v0  }
0x97: {  	[tilespmem:s13], [sflag:$0x1] =	stream.indirect.gather [hbm4b:s1+s12], $0x80, s22, s12, $0xb8;
	[tilespmem:$0x18680] =	vst v63  }
0x98: {  	_ = 	snop  }
0x99: {  	[tilespmem:s14], [sflag:$0x2] =	stream.indirect.gather [hbm4b:s2+s12], $0x80, s23, s12, $0xb8;
	[tilespmem:$0x18680] =	vst v63  }
0x9a: {  	_ =	swait.ge [sflag:s10], $0x4000  }
0x9b: {  	[sflag:s10] =	ssyncset.done $0x0  }
0x9c: {  	[sflag:s10] =	ssyncadd.s32 $0xFFFFC000  }
0x9d: {  	_ =	swait.ge [sflag:s11], $0x4000  }
0x9e: {  	[sflag:s11] =	ssyncset.done $0x0  }
0x9f: {  	s29 =	simm.s32 $0x0;
	[sflag:s11] =	ssyncadd.s32 $0xFFFFC000  }
0xa0: {  	v0 =	vld [tilespmem:s29+$0x4480]  }
0xa1: {  	v1 =	vld [tilespmem:s29+$0x10480]  }
0xa2: {  	v2 =	vld [tilespmem:s29+$0x4490]  }
0xa3: {  	v3 =	vld [tilespmem:s29+$0x10490]  }
0xa4: {  	v4 =	vld [tilespmem:s29+$0x44A0]  }
0xa5: {  	v5 =	vld [tilespmem:s29+$0x104A0]  }
0xa6: {  	v6 =	vld [tilespmem:s29+$0x44B0]  }
0xa7: {  	v7 =	vld [tilespmem:s29+$0x104B0]  }
0xa8: {  	v8 =	vld [tilespmem:s29+$0x44C0]  }
0xa9: {  	v42 =	vld [tilespmem:s29+$0x104C0]  }
0xaa: {  	v10 =	vld [tilespmem:s29+$0x44D0]  }
0xab: {  	v11 =	vld [tilespmem:s29+$0x104D0]  }
0xac: {  	v12 =	vld [tilespmem:s29+$0x44E0]  }
0xad: {  	v13 =	vld [tilespmem:s29+$0x104E0]  }
0xae: {  	v14 =	vld [tilespmem:s29+$0x44F0]  }
0xaf: {  	v15 =	vld [tilespmem:s29+$0x104F0]  }
0xb0: {  	v16 =	vld [tilespmem:s29+$0x4400]  }
0xb1: {  	v17 =	vld [tilespmem:s29+$0x10400]  }
0xb2: {  	v18 =	vld [tilespmem:s29+$0x4410]  }
0xb3: {  	v19 =	vld [tilespmem:s29+$0x10410]  }
0xb4: {  	v20 =	vld [tilespmem:s29+$0x4420]  }
0xb5: {  	v21 =	vld [tilespmem:s29+$0x10420]  }
0xb6: {  	v22 =	vld [tilespmem:s29+$0x4430]  }
0xb7: {  	v23 =	vld [tilespmem:s29+$0x10430]  }
0xb8: {  	v24 =	vld [tilespmem:s29+$0x4440]  }
0xb9: {  	v25 =	vld [tilespmem:s29+$0x10440]  }
0xba: {  	v26 =	vld [tilespmem:s29+$0x4450]  }
0xbb: {  	v27 =	vld [tilespmem:s29+$0x10450]  }
0xbc: {  	v28 =	vld [tilespmem:s29+$0x4460]  }
0xbd: {  	v29 =	vld [tilespmem:s29+$0x10460]  }
0xbe: {  	v30 =	vld [tilespmem:s29+$0x4470]  }
0xbf: {  	s28 =	simm.s32 $0x100;
	v31 =	vld [tilespmem:s29+$0x10470]  }
0xc0: {  	v32 =	vld [tilespmem:s28+$0x4480]  }
0xc1: {  	v33 =	vld [tilespmem:s28+$0x10480]  }
0xc2: {  	v34 =	vld [tilespmem:s28+$0x4490];
	v0 =	vmul.f32 v1, v0  }
0xc3: {  	v45 =	vld [tilespmem:s28+$0x44B0];
	v1 =	vmul.f32 v3, v2;
	v3 =	vmul.f32 v5, v4  }
0xc4: {  	v47 =	vld [tilespmem:s28+$0x104B0];
	v4 =	vmul.f32 v7, v6;
	v6 =	vmul.f32 v42, v8  }
0xc5: {  	v49 =	vld [tilespmem:s28+$0x44C0];
	v7 =	vmul.f32 v11, v10;
	v43 =	vmul.f32 v13, v12  }
0xc6: {  	v51 =	vld [tilespmem:s28+$0x104C0];
	v44 =	vmul.f32 v15, v14;
	v46 =	vmul.f32 v19, v18  }
0xc7: {  	v54 =	vld [tilespmem:s28+$0x44D0];
	v48 =	vmul.f32 v23, v22;
	v50 =	vmul.f32 v27, v26  }
0xc8: {  	v55 =	vld [tilespmem:s28+$0x104D0];
	v52 =	vmul.f32 v29, v28;
	v53 =	vmul.f32 v31, v30;
	v0 =	vadd.f32 v1, v0  }
0xc9: {  	v56 =	vld [tilespmem:s28+$0x44E0];
	v1 =	vmul.f32 v17, v16;
	v3 =	vadd.f32 v4, v3;
	v4 =	vmul.f32 v21, v20  }
0xca: {  	v2 =	vld [tilespmem:s28+$0x10490];
	v6 =	vadd.f32 v7, v6;
	v7 =	vmul.f32 v25, v24;
	v9 =	vadd.f32 v44, v43  }
0xcb: {  	v5 =	vld [tilespmem:s28+$0x44A0];
	v10 =	vadd.f32 v53, v52;
	v1 =	vadd.f32 v46, v1  }
0xcc: {  	v8 =	vld [tilespmem:s28+$0x104A0];
	v4 =	vadd.f32 v48, v4;
	v7 =	vadd.f32 v50, v7  }
0xcd: {  	v0 =	vadd.f32 v3, v0;
	v3 =	vadd.f32 v9, v6;
	v6 =	vld [tilespmem:s28+$0x104E0]  }
0xce: {  	v1 =	vadd.f32 v4, v1;
	v4 =	vadd.f32 v10, v7;
	v7 =	vld [tilespmem:s28+$0x44F0]  }
0xcf: {  	v0 =	vadd.f32 v3, v0;
	v3 =	vld [tilespmem:s28+$0x104F0]  }
0xd0: {  	v57 =	vld [tilespmem:s28+$0x10400];
	v1 =	vadd.f32 v4, v1  }
0xd1: {  	v58 =	vld [tilespmem:s28+$0x10410];
	v60 =	vmul.f32 v51, v49;
	v12 =	vmul.f32 v55, v54;
	(xrf2) =	vadd.scan.msk.f32 $0xffff, v0  }
0xd2: {  	v59 =	vld [tilespmem:s28+$0x4420];
	v2 =	vmul.f32 v2, v34;
	v5 =	vmul.f32 v8, v5;
	(xrf2) =	vadd.scan.msk.f32 $0xffff, v1  }
0xd3: {  	v61 =	vld [tilespmem:s28+$0x10420];
	v8 =	vmul.f32 v47, v45;
	v0 =	vmul.f32 v33, v32  }
0xd4: {  	v4 =	vld [tilespmem:s28+$0x4400];
	v6 =	vmul.f32 v6, v56;
	v3 =	vmul.f32 v3, v7  }
0xd5: {  	v1 =	vld [tilespmem:s28+$0x4410];
	v0 =	vadd.f32 v2, v0;
	v2 =	vadd.f32 v8, v5  }
0xd6: {  	v5 =	vld [tilespmem:s28+$0x10430];
	v8 =	vadd.f32 v12, v60;
	v3 =	vadd.f32 v3, v6  }
0xd7: {  	v7 =	vld [tilespmem:s28+$0x4430]  }
0xd8: {  	v62 =	vld [tilespmem:s28+$0x10440];
	v2 =	vadd.f32 v2, v0;
	v3 =	vadd.f32 v3, v8  }
0xd9: {  	v6 =	vld [tilespmem:s28+$0x4440]  }
0xda: {  	v0 =	vld [tilespmem:s28+$0x4450];
	v63 =	vadd.f32 v3, v2  }
0xdb: {  	s29 =	simm.s32 $0x18481;
	v9 =	vmul.f32 v57, v4;
	v10 =	vmul.f32 v58, v1;
	v1 =	vld [tilespmem:s28+$0x10450];
	v8, _, _ =	vpop (xrf2)  }
0xdc: {  	v7 =	vmul.f32 v5, v7;
	v3 =	vld [tilespmem:s28+$0x4460];
	[tilespmem:s29+$0x0] =	vst.msk vm0, v8;
	v8 =	vmul.f32 v61, v59;
	(xrf2) =	vadd.scan.msk.f32 $0xffff, v63;
	v4, _, _ =	vpop (xrf2)  }
0xdd: {  	[tilespmem:s29+$0xFFFFFFFF] =	vst.msk vm0, v4;
	v4 =	vld [tilespmem:s28+$0x10460]  }
0xde: {  	s30 =	simm.s32 $0x2;
	s31 =	simm.s32 $0x800;
	v5 =	vld [tilespmem:s28+$0x4470];
	v2 =	vadd.f32 v10, v9;
	v6 =	vmul.f32 v62, v6;
	v7 =	vadd.f32 v7, v8  }
.LBB2_4:
0xdf: {  	v8 =	vld [tilespmem:s28+$0x10470];
	s28 =	sshra.s32 s31, $0x2  }
0xe0: {  	v9 =	vld [tilespmem:s28+$0x4480];
	v0 =	vmul.f32 v1, v0;
	v1 =	vadd.f32 v7, v2  }
0xe1: {  	v2 =	vld [tilespmem:s28+$0x10480]  }
0xe2: {  	v7 =	vld [tilespmem:s28+$0x4490];
	v3 =	vmul.f32 v4, v3;
	v0 =	vadd.f32 v0, v6  }
0xe3: {  	v4 =	vld [tilespmem:s28+$0x10490]  }
0xe4: {  	v6 =	vld [tilespmem:s28+$0x44A0];
	v11 =	vmul.f32 v8, v5  }
0xe5: {  	v8 =	vld [tilespmem:s28+$0x104A0]  }
0xe6: {  	s29 =	sadd.s32 $0x2, s29;
	v10 =	vld [tilespmem:s28+$0x44B0];
	v3 =	vadd.f32 v11, v3;
	v5, _, _ =	vpop (xrf2)  }
0xe7: {  	v11 =	vld [tilespmem:s28+$0x104B0];
	[tilespmem:s29+$0x0] =	vst.msk vm0, v5  }
0xe8: {  	v5 =	vld [tilespmem:s28+$0x44C0];
	v0 =	vadd.f32 v3, v0  }
0xe9: {  	v3 =	vld [tilespmem:s28+$0x104C0]  }
0xea: {  	v12 =	vld [tilespmem:s28+$0x44D0];
	v0 =	vadd.f32 v0, v1  }
0xeb: {  	v1 =	vld [tilespmem:s28+$0x104D0]  }
0xec: {  	v13 =	vld [tilespmem:s28+$0x44E0];
	(xrf2) =	vadd.scan.msk.f32 $0xffff, v0  }
0xed: {  	v0 =	vld [tilespmem:s28+$0x104E0]  }
0xee: {  	s30 =	sadd.s32 $0x2, s30;
	v14 =	vld [tilespmem:s28+$0x44F0]  }
0xef: {  	p0 =	slt.u32 s30, $0x7E;
	v15 =	vld [tilespmem:s28+$0x104F0]  }
0xf0: {  	v16 =	vld [tilespmem:s28+$0x4400]  }
0xf1: {  	v2 =	vmul.f32 v2, v9;
	v4 =	vmul.f32 v4, v7;
	v17 =	vld [tilespmem:s28+$0x10400]  }
0xf2: {  	v6 =	vmul.f32 v8, v6;
	v8 =	vmul.f32 v11, v10;
	v7 =	vld [tilespmem:s28+$0x4410]  }
0xf3: {  	v18 =	vmul.f32 v3, v5;
	v1 =	vmul.f32 v1, v12;
	v9 =	vld [tilespmem:s28+$0x10410]  }
0xf4: {  	v0 =	vmul.f32 v0, v13;
	v5 =	vld [tilespmem:s28+$0x4420];
	v10 =	vmul.f32 v15, v14  }
0xf5: {  	v2 =	vadd.f32 v4, v2;
	v4 =	vadd.f32 v8, v6;
	v11 =	vld [tilespmem:s28+$0x10420]  }
0xf6: {  	v1 =	vadd.f32 v1, v18;
	v6 =	vmul.f32 v17, v16;
	v8 =	vld [tilespmem:s28+$0x4430];
	v0 =	vadd.f32 v10, v0;
	v3, _, _ =	vpop (xrf2)  }
0xf7: {  	v10 =	vld [tilespmem:s28+$0x10430];
	[tilespmem:s29+$0xFFFFFFFF] =	vst.msk vm0, v3  }
0xf8: {  	v4 =	vadd.f32 v4, v2;
	v3 =	vmul.f32 v9, v7;
	v7 =	vld [tilespmem:s28+$0x4440];
	v1 =	vadd.f32 v0, v1  }
0xf9: {  	v9 =	vld [tilespmem:s28+$0x10440]  }
.Ltmp1:
0xfa: {  	v11 =	vmul.f32 v11, v5;
	v0 =	vld [tilespmem:s28+$0x4450];
	v2 =	vadd.f32 v3, v6;
	v4 =	vadd.f32 v1, v4;
	(pc) =	sbr.rel @p0 .LBB2_4-.Ltmp1, $4  }
0xfb: {  	v1 =	vld [tilespmem:s28+$0x10450]  }
0xfc: {  	v8 =	vmul.f32 v10, v8;
	v3 =	vld [tilespmem:s28+$0x4460];
	(xrf2) =	vadd.scan.msk.f32 $0xffff, v4  }
0xfd: {  	v4 =	vld [tilespmem:s28+$0x10460]  }
0xfe: {  	s31 =	sadd.s32 $0x400, s31;
	v6 =	vmul.f32 v9, v7;
	v5 =	vld [tilespmem:s28+$0x4470];
	v7 =	vadd.f32 v8, v11  }
0xff: {  	v8 =	vld [tilespmem:s28+$0x10470];
	_ =	sdelay $0x3  }
0x100: {  	v0 =	vmul.f32 v1, v0  }
0x101: {  	v1 =	vmul.f32 v4, v3;
	v3 =	vmul.f32 v8, v5;
	_ =	sdelay $0x1  }
0x102: {  	v0 =	vadd.f32 v0, v6;
	v1 =	vadd.f32 v3, v1;
	_ =	sdelay $0x1  }
0x103: {  	v2 =	vadd.f32 v7, v2;
	v0 =	vadd.f32 v1, v0;
	_ =	sdelay $0x1  }
0x104: {  	v0 =	vadd.f32 v0, v2;
	_ =	sdelay $0x1  }
0x105: {  	(xrf2) =	vadd.scan.msk.f32 $0xffff, v0;
	_ =	sdelay $0x8  }
0x106: {  	s28 =	sadd.s32 $0x2, s29;
	v0, _, _ =	vpop (xrf2)  }
0x107: {  	[tilespmem:s28+$0x0] =	vst.msk vm0, v0;
	v0, _, _ =	vpop (xrf2)  }
0x108: {  	[tilespmem:s28+$0xFFFFFFFF] =	vst.msk vm0, v0  }
0x109: {  	_ =	swait.ge [sflag:s10], $0x4000  }
0x10a: {  	[sflag:s10] =	ssyncset.done $0x0  }
0x10b: {  	[sflag:s10] =	ssyncadd.s32 $0xFFFFC000  }
0x10c: {  	_ =	swait.ge [sflag:s11], $0x4000  }
0x10d: {  	[sflag:s11] =	ssyncset.done $0x0  }
0x10e: {  	s29 =	simm.s32 $0x0;
	[sflag:s11] =	ssyncadd.s32 $0xFFFFC000  }
0x10f: {  	v0 =	vld [tilespmem:s29+$0x8480]  }
0x110: {  	v1 =	vld [tilespmem:s29+$0x14480]  }
0x111: {  	v2 =	vld [tilespmem:s29+$0x8490]  }
0x112: {  	v3 =	vld [tilespmem:s29+$0x14490]  }
0x113: {  	v4 =	vld [tilespmem:s29+$0x84A0]  }
0x114: {  	v5 =	vld [tilespmem:s29+$0x144A0]  }
0x115: {  	v6 =	vld [tilespmem:s29+$0x84B0]  }
0x116: {  	v7 =	vld [tilespmem:s29+$0x144B0]  }
0x117: {  	v8 =	vld [tilespmem:s29+$0x84C0]  }
0x118: {  	v9 =	vld [tilespmem:s29+$0x144C0]  }
0x119: {  	v10 =	vld [tilespmem:s29+$0x84D0]  }
0x11a: {  	v11 =	vld [tilespmem:s29+$0x144D0]  }
0x11b: {  	v12 =	vld [tilespmem:s29+$0x84E0]  }
0x11c: {  	v13 =	vld [tilespmem:s29+$0x144E0]  }
0x11d: {  	v14 =	vld [tilespmem:s29+$0x84F0]  }
0x11e: {  	v15 =	vld [tilespmem:s29+$0x144F0]  }
0x11f: {  	v16 =	vld [tilespmem:s29+$0x8400]  }
0x120: {  	v17 =	vld [tilespmem:s29+$0x14400]  }
0x121: {  	v18 =	vld [tilespmem:s29+$0x8410]  }
0x122: {  	v19 =	vld [tilespmem:s29+$0x14410]  }
0x123: {  	v20 =	vld [tilespmem:s29+$0x8420]  }
0x124: {  	v21 =	vld [tilespmem:s29+$0x14420]  }
0x125: {  	v22 =	vld [tilespmem:s29+$0x8430]  }
0x126: {  	v23 =	vld [tilespmem:s29+$0x14430]  }
0x127: {  	v24 =	vld [tilespmem:s29+$0x8440]  }
0x128: {  	v25 =	vld [tilespmem:s29+$0x14440]  }
0x129: {  	v26 =	vld [tilespmem:s29+$0x8450]  }
0x12a: {  	v27 =	vld [tilespmem:s29+$0x14450]  }
0x12b: {  	v28 =	vld [tilespmem:s29+$0x8460]  }
0x12c: {  	v29 =	vld [tilespmem:s29+$0x14460]  }
0x12d: {  	v30 =	vld [tilespmem:s29+$0x8470]  }
0x12e: {  	s28 =	simm.s32 $0x100;
	v31 =	vld [tilespmem:s29+$0x14470]  }
0x12f: {  	v32 =	vld [tilespmem:s28+$0x8480]  }
0x130: {  	v33 =	vld [tilespmem:s28+$0x14480]  }
0x131: {  	v34 =	vld [tilespmem:s28+$0x8490];
	v0 =	vmul.f32 v1, v0  }
0x132: {  	v45 =	vld [tilespmem:s28+$0x84B0];
	v1 =	vmul.f32 v3, v2;
	v3 =	vmul.f32 v5, v4  }
0x133: {  	v47 =	vld [tilespmem:s28+$0x144B0];
	v4 =	vmul.f32 v7, v6;
	v6 =	vmul.f32 v9, v8  }
0x134: {  	v49 =	vld [tilespmem:s28+$0x84C0];
	v7 =	vmul.f32 v11, v10;
	v43 =	vmul.f32 v13, v12  }
0x135: {  	v51 =	vld [tilespmem:s28+$0x144C0];
	v44 =	vmul.f32 v15, v14;
	v46 =	vmul.f32 v19, v18  }
0x136: {  	v54 =	vld [tilespmem:s28+$0x84D0];
	v48 =	vmul.f32 v23, v22;
	v50 =	vmul.f32 v27, v26  }
0x137: {  	v55 =	vld [tilespmem:s28+$0x144D0];
	v52 =	vmul.f32 v29, v28;
	v53 =	vmul.f32 v31, v30;
	v0 =	vadd.f32 v1, v0  }
0x138: {  	v56 =	vld [tilespmem:s28+$0x84E0];
	v1 =	vmul.f32 v17, v16;
	v3 =	vadd.f32 v4, v3;
	v4 =	vmul.f32 v21, v20  }
0x139: {  	v2 =	vld [tilespmem:s28+$0x14490];
	v6 =	vadd.f32 v7, v6;
	v7 =	vmul.f32 v25, v24;
	v9 =	vadd.f32 v44, v43  }
0x13a: {  	v5 =	vld [tilespmem:s28+$0x84A0];
	v10 =	vadd.f32 v53, v52;
	v1 =	vadd.f32 v46, v1  }
0x13b: {  	v8 =	vld [tilespmem:s28+$0x144A0];
	v4 =	vadd.f32 v48, v4;
	v7 =	vadd.f32 v50, v7  }
0x13c: {  	v0 =	vadd.f32 v3, v0;
	v3 =	vadd.f32 v9, v6;
	v6 =	vld [tilespmem:s28+$0x144E0]  }
0x13d: {  	v1 =	vadd.f32 v4, v1;
	v4 =	vadd.f32 v10, v7;
	v7 =	vld [tilespmem:s28+$0x84F0]  }
0x13e: {  	v0 =	vadd.f32 v3, v0;
	v3 =	vld [tilespmem:s28+$0x144F0]  }
0x13f: {  	v57 =	vld [tilespmem:s28+$0x14400];
	v1 =	vadd.f32 v4, v1  }
0x140: {  	v58 =	vld [tilespmem:s28+$0x14410];
	v60 =	vmul.f32 v51, v49;
	v12 =	vmul.f32 v55, v54;
	(xrf2) =	vadd.scan.msk.f32 $0xffff, v0  }
0x141: {  	v59 =	vld [tilespmem:s28+$0x8420];
	v2 =	vmul.f32 v2, v34;
	v5 =	vmul.f32 v8, v5;
	(xrf2) =	vadd.scan.msk.f32 $0xffff, v1  }
0x142: {  	v61 =	vld [tilespmem:s28+$0x14420];
	v8 =	vmul.f32 v47, v45;
	v0 =	vmul.f32 v33, v32  }
0x143: {  	v4 =	vld [tilespmem:s28+$0x8400];
	v6 =	vmul.f32 v6, v56;
	v3 =	vmul.f32 v3, v7  }
0x144: {  	v1 =	vld [tilespmem:s28+$0x8410];
	v0 =	vadd.f32 v2, v0;
	v2 =	vadd.f32 v8, v5  }
0x145: {  	v5 =	vld [tilespmem:s28+$0x14430];
	v8 =	vadd.f32 v12, v60;
	v3 =	vadd.f32 v3, v6  }
0x146: {  	v7 =	vld [tilespmem:s28+$0x8430]  }
0x147: {  	v62 =	vld [tilespmem:s28+$0x14440];
	v2 =	vadd.f32 v2, v0;
	v3 =	vadd.f32 v3, v8  }
0x148: {  	v6 =	vld [tilespmem:s28+$0x8440]  }
0x149: {  	v0 =	vld [tilespmem:s28+$0x8450];
	v63 =	vadd.f32 v3, v2  }
0x14a: {  	s29 =	simm.s32 $0x18501;
	v9 =	vmul.f32 v57, v4;
	v10 =	vmul.f32 v58, v1;
	v1 =	vld [tilespmem:s28+$0x14450];
	v8, _, _ =	vpop (xrf2)  }
0x14b: {  	v7 =	vmul.f32 v5, v7;
	v3 =	vld [tilespmem:s28+$0x8460];
	[tilespmem:s29+$0x0] =	vst.msk vm0, v8;
	v8 =	vmul.f32 v61, v59;
	(xrf2) =	vadd.scan.msk.f32 $0xffff, v63;
	v4, _, _ =	vpop (xrf2)  }
0x14c: {  	[tilespmem:s29+$0xFFFFFFFF] =	vst.msk vm0, v4;
	v4 =	vld [tilespmem:s28+$0x14460]  }
0x14d: {  	s30 =	simm.s32 $0x2;
	s31 =	simm.s32 $0x800;
	v5 =	vld [tilespmem:s28+$0x8470];
	v2 =	vadd.f32 v10, v9;
	v6 =	vmul.f32 v62, v6;
	v7 =	vadd.f32 v7, v8  }
.LBB2_6:
0x14e: {  	v8 =	vld [tilespmem:s28+$0x14470];
	s28 =	sshra.s32 s31, $0x2  }
0x14f: {  	v9 =	vld [tilespmem:s28+$0x8480];
	v0 =	vmul.f32 v1, v0;
	v1 =	vadd.f32 v7, v2  }
0x150: {  	v2 =	vld [tilespmem:s28+$0x14480]  }
0x151: {  	v7 =	vld [tilespmem:s28+$0x8490];
	v3 =	vmul.f32 v4, v3;
	v0 =	vadd.f32 v0, v6  }
0x152: {  	v4 =	vld [tilespmem:s28+$0x14490]  }
0x153: {  	v6 =	vld [tilespmem:s28+$0x84A0];
	v11 =	vmul.f32 v8, v5  }
0x154: {  	v8 =	vld [tilespmem:s28+$0x144A0]  }
0x155: {  	s29 =	sadd.s32 $0x2, s29;
	v10 =	vld [tilespmem:s28+$0x84B0];
	v3 =	vadd.f32 v11, v3;
	v5, _, _ =	vpop (xrf2)  }
0x156: {  	v11 =	vld [tilespmem:s28+$0x144B0];
	[tilespmem:s29+$0x0] =	vst.msk vm0, v5  }
0x157: {  	v5 =	vld [tilespmem:s28+$0x84C0];
	v0 =	vadd.f32 v3, v0  }
0x158: {  	v3 =	vld [tilespmem:s28+$0x144C0]  }
0x159: {  	v12 =	vld [tilespmem:s28+$0x84D0];
	v0 =	vadd.f32 v0, v1  }
0x15a: {  	v1 =	vld [tilespmem:s28+$0x144D0]  }
0x15b: {  	v13 =	vld [tilespmem:s28+$0x84E0];
	(xrf2) =	vadd.scan.msk.f32 $0xffff, v0  }
0x15c: {  	v0 =	vld [tilespmem:s28+$0x144E0]  }
0x15d: {  	s30 =	sadd.s32 $0x2, s30;
	v14 =	vld [tilespmem:s28+$0x84F0]  }
0x15e: {  	p0 =	slt.u32 s30, $0x7E;
	v15 =	vld [tilespmem:s28+$0x144F0]  }
0x15f: {  	v16 =	vld [tilespmem:s28+$0x8400]  }
0x160: {  	v2 =	vmul.f32 v2, v9;
	v4 =	vmul.f32 v4, v7;
	v17 =	vld [tilespmem:s28+$0x14400]  }
0x161: {  	v6 =	vmul.f32 v8, v6;
	v8 =	vmul.f32 v11, v10;
	v7 =	vld [tilespmem:s28+$0x8410]  }
0x162: {  	v18 =	vmul.f32 v3, v5;
	v1 =	vmul.f32 v1, v12;
	v9 =	vld [tilespmem:s28+$0x14410]  }
0x163: {  	v0 =	vmul.f32 v0, v13;
	v5 =	vld [tilespmem:s28+$0x8420];
	v10 =	vmul.f32 v15, v14  }
0x164: {  	v2 =	vadd.f32 v4, v2;
	v4 =	vadd.f32 v8, v6;
	v11 =	vld [tilespmem:s28+$0x14420]  }
0x165: {  	v1 =	vadd.f32 v1, v18;
	v6 =	vmul.f32 v17, v16;
	v8 =	vld [tilespmem:s28+$0x8430];
	v0 =	vadd.f32 v10, v0;
	v3, _, _ =	vpop (xrf2)  }
0x166: {  	v10 =	vld [tilespmem:s28+$0x14430];
	[tilespmem:s29+$0xFFFFFFFF] =	vst.msk vm0, v3  }
0x167: {  	v4 =	vadd.f32 v4, v2;
	v3 =	vmul.f32 v9, v7;
	v7 =	vld [tilespmem:s28+$0x8440];
	v1 =	vadd.f32 v0, v1  }
0x168: {  	v9 =	vld [tilespmem:s28+$0x14440]  }
.Ltmp2:
0x169: {  	v11 =	vmul.f32 v11, v5;
	v0 =	vld [tilespmem:s28+$0x8450];
	v2 =	vadd.f32 v3, v6;
	v4 =	vadd.f32 v1, v4;
	(pc) =	sbr.rel @p0 .LBB2_6-.Ltmp2, $4  }
0x16a: {  	v1 =	vld [tilespmem:s28+$0x14450]  }
0x16b: {  	v8 =	vmul.f32 v10, v8;
	v3 =	vld [tilespmem:s28+$0x8460];
	(xrf2) =	vadd.scan.msk.f32 $0xffff, v4  }
0x16c: {  	v4 =	vld [tilespmem:s28+$0x14460]  }
0x16d: {  	s31 =	sadd.s32 $0x400, s31;
	v6 =	vmul.f32 v9, v7;
	v5 =	vld [tilespmem:s28+$0x8470];
	v7 =	vadd.f32 v8, v11  }
0x16e: {  	v8 =	vld [tilespmem:s28+$0x14470];
	_ =	sdelay $0x3  }
0x16f: {  	v0 =	vmul.f32 v1, v0  }
0x170: {  	v1 =	vmul.f32 v4, v3;
	v3 =	vmul.f32 v8, v5;
	_ =	sdelay $0x1  }
0x171: {  	v0 =	vadd.f32 v0, v6;
	v1 =	vadd.f32 v3, v1;
	_ =	sdelay $0x1  }
0x172: {  	v2 =	vadd.f32 v7, v2;
	v0 =	vadd.f32 v1, v0;
	_ =	sdelay $0x1  }
0x173: {  	v0 =	vadd.f32 v0, v2;
	_ =	sdelay $0x1  }
0x174: {  	(xrf2) =	vadd.scan.msk.f32 $0xffff, v0;
	_ =	sdelay $0x8  }
0x175: {  	s28 =	sadd.s32 $0x2, s29;
	v0, _, _ =	vpop (xrf2)  }
0x176: {  	[tilespmem:s28+$0x0] =	vst.msk vm0, v0;
	v0, _, _ =	vpop (xrf2)  }
0x177: {  	[tilespmem:s28+$0xFFFFFFFF] =	vst.msk vm0, v0  }
0x178: {  	_ =	swait.ge [sflag:s10], $0x4000  }
0x179: {  	[sflag:s10] =	ssyncset.done $0x0  }
0x17a: {  	[sflag:s10] =	ssyncadd.s32 $0xFFFFC000  }
0x17b: {  	_ =	swait.ge [sflag:s11], $0x4000  }
0x17c: {  	[sflag:s11] =	ssyncset.done $0x0  }
0x17d: {  	s28 =	simm.s32 $0x480;
	[sflag:s11] =	ssyncadd.s32 $0xFFFFC000  }
0x17e: {  	s29 =	simm.s32 $0xC480;
	v0 =	vld [tilespmem:s28+$0x0]  }
0x17f: {  	v1 =	vld [tilespmem:s29+$0x0]  }
0x180: {  	v2 =	vld [tilespmem:s28+$0x10]  }
0x181: {  	v3 =	vld [tilespmem:s29+$0x10]  }
0x182: {  	v4 =	vld [tilespmem:s28+$0x20]  }
0x183: {  	v5 =	vld [tilespmem:s29+$0x20]  }
0x184: {  	v6 =	vld [tilespmem:s28+$0x30]  }
0x185: {  	v7 =	vld [tilespmem:s29+$0x30]  }
0x186: {  	v8 =	vld [tilespmem:s28+$0x40]  }
0x187: {  	v9 =	vld [tilespmem:s29+$0x40]  }
0x188: {  	v10 =	vld [tilespmem:s28+$0x50]  }
0x189: {  	v11 =	vld [tilespmem:s29+$0x50]  }
0x18a: {  	v12 =	vld [tilespmem:s28+$0x60]  }
0x18b: {  	v13 =	vld [tilespmem:s29+$0x60]  }
0x18c: {  	v14 =	vld [tilespmem:s28+$0x70]  }
0x18d: {  	v15 =	vld [tilespmem:s29+$0x70]  }
0x18e: {  	v16 =	vld [tilespmem:s29+$0xFFFFFF80]  }
0x18f: {  	v17 =	vld [tilespmem:s28+$0xFFFFFF90]  }
0x190: {  	v18 =	vld [tilespmem:s29+$0xFFFFFF90]  }
0x191: {  	v19 =	vld [tilespmem:s28+$0xFFFFFFA0]  }
0x192: {  	v20 =	vld [tilespmem:s29+$0xFFFFFFA0]  }
0x193: {  	v21 =	vld [tilespmem:s28+$0xFFFFFFB0]  }
0x194: {  	v22 =	vld [tilespmem:s29+$0xFFFFFFB0]  }
0x195: {  	v23 =	vld [tilespmem:s28+$0xFFFFFFC0]  }
0x196: {  	v24 =	vld [tilespmem:s29+$0xFFFFFFC0]  }
0x197: {  	v25 =	vld [tilespmem:s28+$0xFFFFFFD0]  }
0x198: {  	v26 =	vld [tilespmem:s29+$0xFFFFFFD0]  }
0x199: {  	v27 =	vld [tilespmem:s28+$0xFFFFFFE0]  }
0x19a: {  	v28 =	vld [tilespmem:s29+$0xFFFFFFE0]  }
0x19b: {  	v29 =	vld [tilespmem:s28+$0xFFFFFFF0]  }
0x19c: {  	v30 =	vld [tilespmem:s29+$0xFFFFFFF0]  }
0x19d: {  	s31 =	simm.s32 $0x580;
	v31 =	vld [tilespmem:s28+$0xFFFFFF80]  }
0x19e: {  	v32 =	vld [tilespmem:s31+$0x0]  }
0x19f: {  	v34 =	vld [tilespmem:s31+$0x10]  }
0x1a0: {  	v50 =	vld [tilespmem:s31+$0x40]  }
0x1a1: {  	v54 =	vld [tilespmem:s31+$0x50];
	v0 =	vmul.f32 v1, v0  }
0x1a2: {  	s28 =	simm.s32 $0xC580;
	v56 =	vld [tilespmem:s31+$0x60];
	v1 =	vmul.f32 v3, v2;
	v3 =	vmul.f32 v5, v4  }
0x1a3: {  	v33 =	vld [tilespmem:s28+$0x0];
	v4 =	vmul.f32 v7, v6;
	v6 =	vmul.f32 v9, v8  }
0x1a4: {  	v35 =	vld [tilespmem:s28+$0x10];
	v7 =	vmul.f32 v11, v10;
	v9 =	vmul.f32 v13, v12  }
0x1a5: {  	v52 =	vld [tilespmem:s28+$0x40];
	v10 =	vmul.f32 v15, v14;
	v49 =	vmul.f32 v20, v19  }
0x1a6: {  	v55 =	vld [tilespmem:s28+$0x50];
	v51 =	vmul.f32 v24, v23;
	v53 =	vmul.f32 v28, v27  }
0x1a7: {  	v57 =	vld [tilespmem:s28+$0x60];
	v16 =	vmul.f32 v16, v31;
	v0 =	vadd.f32 v1, v0;
	v3 =	vadd.f32 v4, v3  }
0x1a8: {  	v2 =	vld [tilespmem:s31+$0x20];
	v4 =	vmul.f32 v22, v21;
	v6 =	vadd.f32 v7, v6;
	v7 =	vmul.f32 v26, v25  }
0x1a9: {  	v5 =	vld [tilespmem:s28+$0x20];
	v1 =	vmul.f32 v18, v17;
	v9 =	vadd.f32 v10, v9;
	v10 =	vmul.f32 v30, v29  }
0x1aa: {  	v8 =	vld [tilespmem:s31+$0x30];
	v4 =	vadd.f32 v4, v49;
	v7 =	vadd.f32 v7, v51  }
0x1ab: {  	v11 =	vld [tilespmem:s28+$0x30];
	v10 =	vadd.f32 v10, v53;
	v1 =	vadd.f32 v1, v16  }
0x1ac: {  	v0 =	vadd.f32 v3, v0;
	v3 =	vadd.f32 v9, v6;
	v6 =	vld [tilespmem:s31+$0x70]  }
0x1ad: {  	v7 =	vadd.f32 v10, v7;
	v1 =	vadd.f32 v4, v1;
	v4 =	vld [tilespmem:s28+$0x70]  }
0x1ae: {  	v61 =	vld [tilespmem:s31+$0xFFFFFFC0];
	v3 =	vadd.f32 v3, v0  }
0x1af: {  	v58 =	vld [tilespmem:s28+$0xFFFFFFA0];
	v59 =	vmul.f32 v55, v54;
	v12 =	vmul.f32 v57, v56;
	v1 =	vadd.f32 v7, v1  }
0x1b0: {  	v60 =	vld [tilespmem:s28+$0xFFFFFFB0];
	v2 =	vmul.f32 v5, v2;
	v5 =	vmul.f32 v11, v8;
	(xrf2) =	vadd.scan.msk.f32 $0xffff, v3  }
0x1b1: {  	v62 =	vld [tilespmem:s28+$0xFFFFFFD0];
	v11 =	vmul.f32 v52, v50;
	v10 =	vmul.f32 v35, v34;
	(xrf2) =	vadd.scan.msk.f32 $0xffff, v1  }
0x1b2: {  	v9 =	vld [tilespmem:s28+$0xFFFFFF90];
	v3 =	vmul.f32 v33, v32;
	v4 =	vmul.f32 v4, v6  }
0x1b3: {  	v8 =	vld [tilespmem:s31+$0xFFFFFFB0];
	v2 =	vadd.f32 v5, v2;
	v5 =	vadd.f32 v59, v11  }
0x1b4: {  	v0 =	vld [tilespmem:s28+$0xFFFFFF80];
	v3 =	vadd.f32 v10, v3;
	v4 =	vadd.f32 v4, v12  }
0x1b5: {  	v11 =	vld [tilespmem:s31+$0xFFFFFFD0]  }
0x1b6: {  	v1 =	vld [tilespmem:s31+$0xFFFFFFA0];
	v2 =	vadd.f32 v2, v3;
	v5 =	vadd.f32 v4, v5  }
0x1b7: {  	v7 =	vld [tilespmem:s31+$0xFFFFFF90]  }
0x1b8: {  	v10 =	vld [tilespmem:s28+$0xFFFFFFC0];
	v2 =	vadd.f32 v5, v2  }
0x1b9: {  	v3 =	vld [tilespmem:s31+$0xFFFFFFE0]  }
0x1ba: {  	s29 =	simm.s32 $0x18581;
	v4 =	vld [tilespmem:s28+$0xFFFFFFE0];
	v6, _, _ =	vpop (xrf2);
	(xrf2) =	vadd.scan.msk.f32 $0xffff, v2  }
0x1bb: {  	v8 =	vmul.f32 v60, v8;
	v63 =	vmul.f32 v58, v1;
	v5 =	vld [tilespmem:s31+$0xFFFFFFF0];
	[tilespmem:s29+$0x0] =	vst.msk vm0, v6;
	v6, _, _ =	vpop (xrf2)  }
0x1bc: {  	v1 =	vmul.f32 v9, v7;
	[tilespmem:s29+$0xFFFFFFFF] =	vst.msk vm0, v6;
	v6 =	vld [tilespmem:s28+$0xFFFFFFF0]  }
0x1bd: {  	s30 =	simm.s32 $0x2;
	v7 =	vmul.f32 v10, v61;
	v9 =	vmul.f32 v62, v11;
	v2 =	vadd.f32 v8, v63;
	v8 =	vld [tilespmem:s31+$0xFFFFFF80];
	s31 =	simm.s32 $0x680  }
.LBB2_8:
0x1be: {  	v10 =	vld [tilespmem:s31+$0x0];
	s28 =	sadd.s32 $0x100, s28  }
0x1bf: {  	v11 =	vld [tilespmem:s28+$0x0];
	v3 =	vmul.f32 v4, v3;
	v4 =	vadd.f32 v9, v7  }
0x1c0: {  	v7 =	vld [tilespmem:s31+$0x10]  }
0x1c1: {  	v9 =	vld [tilespmem:s28+$0x10];
	v5 =	vmul.f32 v6, v5  }
0x1c2: {  	v6 =	vld [tilespmem:s31+$0x20];
	v0 =	vmul.f32 v0, v8  }
0x1c3: {  	v8 =	vld [tilespmem:s28+$0x20];
	v3 =	vadd.f32 v5, v3  }
0x1c4: {  	s29 =	sadd.s32 $0x2, s29;
	v5 =	vld [tilespmem:s31+$0x30];
	v0 =	vadd.f32 v1, v0;
	v1, _, _ =	vpop (xrf2)  }
0x1c5: {  	v12 =	vld [tilespmem:s28+$0x30];
	v3 =	vadd.f32 v3, v4;
	[tilespmem:s29+$0x0] =	vst.msk vm0, v1  }
0x1c6: {  	v1 =	vld [tilespmem:s31+$0x40];
	v0 =	vadd.f32 v2, v0  }
0x1c7: {  	v2 =	vld [tilespmem:s28+$0x40]  }
0x1c8: {  	v4 =	vld [tilespmem:s31+$0x50];
	v0 =	vadd.f32 v3, v0  }
0x1c9: {  	v3 =	vld [tilespmem:s28+$0x50]  }
0x1ca: {  	v13 =	vld [tilespmem:s31+$0x60];
	(xrf2) =	vadd.scan.msk.f32 $0xffff, v0  }
0x1cb: {  	v14 =	vld [tilespmem:s28+$0x60]  }
0x1cc: {  	v15 =	vld [tilespmem:s31+$0x70]  }
0x1cd: {  	s30 =	sadd.s32 $0x2, s30;
	v16 =	vld [tilespmem:s28+$0x70]  }
0x1ce: {  	p0 =	slt.u32 s30, $0x7E;
	v0 =	vld [tilespmem:s28+$0xFFFFFF80]  }
0x1cf: {  	v10 =	vmul.f32 v11, v10;
	v7 =	vmul.f32 v9, v7;
	v17 =	vld [tilespmem:s31+$0xFFFFFF90]  }
0x1d0: {  	v6 =	vmul.f32 v8, v6;
	v5 =	vmul.f32 v12, v5;
	v9 =	vld [tilespmem:s28+$0xFFFFFF90]  }
0x1d1: {  	v1 =	vmul.f32 v2, v1;
	v2 =	vmul.f32 v3, v4;
	v8 =	vld [tilespmem:s31+$0xFFFFFFA0]  }
0x1d2: {  	v4 =	vmul.f32 v14, v13;
	v3 =	vld [tilespmem:s28+$0xFFFFFFA0];
	v11 =	vmul.f32 v16, v15  }
0x1d3: {  	v7 =	vadd.f32 v7, v10;
	v5 =	vadd.f32 v5, v6;
	v12 =	vld [tilespmem:s31+$0xFFFFFFB0]  }
0x1d4: {  	v2 =	vadd.f32 v2, v1;
	v6 =	vld [tilespmem:s28+$0xFFFFFFB0];
	v4 =	vadd.f32 v11, v4;
	v10, _, _ =	vpop (xrf2)  }
0x1d5: {  	v1 =	vmul.f32 v9, v17;
	v9 =	vld [tilespmem:s31+$0xFFFFFFC0];
	[tilespmem:s29+$0xFFFFFFFF] =	vst.msk vm0, v10  }
0x1d6: {  	v5 =	vadd.f32 v5, v7;
	v10 =	vld [tilespmem:s28+$0xFFFFFFC0];
	v2 =	vadd.f32 v4, v2  }
0x1d7: {  	v8 =	vmul.f32 v3, v8;
	v11 =	vld [tilespmem:s31+$0xFFFFFFD0]  }
0x1d8: {  	v13 =	vld [tilespmem:s28+$0xFFFFFFD0];
	v2 =	vadd.f32 v2, v5  }
.Ltmp3:
0x1d9: {  	v6 =	vmul.f32 v6, v12;
	v3 =	vld [tilespmem:s31+$0xFFFFFFE0];
	(pc) =	sbr.rel @p0 .LBB2_8-.Ltmp3, $4  }
0x1da: {  	v4 =	vld [tilespmem:s28+$0xFFFFFFE0];
	(xrf2) =	vadd.scan.msk.f32 $0xffff, v2  }
0x1db: {  	v7 =	vmul.f32 v10, v9;
	v5 =	vld [tilespmem:s31+$0xFFFFFFF0];
	v2 =	vadd.f32 v6, v8  }
0x1dc: {  	v6 =	vld [tilespmem:s28+$0xFFFFFFF0]  }
0x1dd: {  	v8 =	vld [tilespmem:s31+$0xFFFFFF80];
	v9 =	vmul.f32 v13, v11;
	s31 =	sadd.s32 $0x100, s31  }
0x1de: {  	_ =	sdelay $0x2  }
0x1df: {  	v3 =	vmul.f32 v4, v3  }
0x1e0: {  	v59 =	vmul.f32 v6, v5;
	v0 =	vmul.f32 v0, v8  }
0x1e1: {  	v60 =	vadd.f32 v9, v7  }
0x1e2: {  	v3 =	vadd.f32 v59, v3;
	v0 =	vadd.f32 v1, v0;
	_ =	sdelay $0x1  }
0x1e3: {  	v61 =	vadd.f32 v3, v60;
	v0 =	vadd.f32 v2, v0;
	_ =	sdelay $0x1  }
0x1e4: {  	v0 =	vadd.f32 v61, v0;
	_ =	sdelay $0x1  }
0x1e5: {  	(xrf2) =	vadd.scan.msk.f32 $0xffff, v0;
	_ =	sdelay $0x8  }
0x1e6: {  	s28 =	sadd.s32 $0x2, s29;
	s26 =	sadd.s32 $0x1, s26;
	v62, _, _ =	vpop (xrf2)  }
0x1e7: {  	p0 =	sne.s32 s26, s8;
	[tilespmem:s28+$0x0] =	vst.msk vm0, v62;
	v63, _, _ =	vpop (xrf2)  }
.Ltmp4:
0x1e8: {  	[tilespmem:s28+$0xFFFFFFFF] =	vst.msk vm0, v63;
	(pc) =	sbr.rel @p0 .LBB2_1-.Ltmp4, $4  }
0x1e9: {  	[hbm4b:s7+s4] =	stream.linear.scatter [tilespmem:s24], [sflag:$0x3], $0x200, $0x38;
	[tilespmem:$0x18680] =	vst v63  }
0x1ea: {  	_ =	swait.ge [sflag:s25], $0x200  }
0x1eb: {  	[sflag:s25] =	ssyncset.done $0x0  }
0x1ec: {  	[sflag:s25] =	ssyncadd.s32 $0xFFFFFE00  }
0x1ed: {  	_ =	sfence.sel $0x180000  }
0x1ee: {  	[bflag:$0x0] =	sbarrier.arrive $0xFFFF  }
0x1ef: {  	p0 =	sne.s32 s3, $0x0;
	_ =	strace $0x90000047  }
0x1f0: {  	s0 =	sadd.s32 @!p0 $0x100000, s0;
	[bflag:$0x2] =	sbarrier.arrive $0xFFFF  }
0x1f1: {  	[sflag:s0] =	ssyncadd.tile.s32 @!p0 $0x1;
	_ =	shalt  }
.Lfunc_end2:
_tile_overlayer_lowered:
.L_overlay_start_2:
0x1f2: {  	(tag) =	ssettag $0x2  }
0x1f3: {  	s0 =	rddreg [dreg:$0x0];
	s2 =	stileid.u32  }
0x1f4: {  	s1 =	rddreg [dreg:$0x1];
	p0 =	sne.s32 s2, $0x0  }
0x1f5: {  	s3 =	rddreg [dreg:$0x2];
	[bflag:$0x3] =	sbarrier.arrive $0xFFFF;
	s2 =	simm.s32 @!p0 $0x1C03  }
0x1f6: {  	[timem:s3], [sflag:s2] =	dma.local @!p0 [hbm:s0], s1  }
0x1f7: {  	s0 =	simm.s32 @!p0 $0x3  }
0x1f8: {  	_ =	swait.ge @!p0 [sflag:s0], s1  }
0x1f9: {  	s1 =	ssub.s32 @!p0 $0x0, s1;
	[sflag:s0] =	ssyncset.done @!p0 $0x0  }
0x1fa: {  	[sflag:s0] =	ssyncadd.s32 @!p0 s1  }
0x1fb: {  	[bflag:$0x3] =	sbarrier.arrive $0xFFFF  }
0x1fc: {  	_ =	shalt  }

</sc_bundles>
